<compile_context>
chip_gen: v7x
topology: tpu7x:2x2x1
jax: 0.10.2.dev20260603
libtpu: 0.0.44.dev20260713+nightly
codegen_flags: <defaults>
</compile_context>

<pallas_src>
import functools

import jax
import jax.numpy as jnp
from jax import lax
from jax.experimental import pallas as pl
from jax.experimental.pallas import tpu as pltpu
from jax.experimental.pallas import tpu_sc as plsc

NN = 2048
EE = 65536
DF = 128

NC = 2
NS = 16
NW = NC * NS
LL = 16
ROWS = 32
PASSES = NN // (NW * ROWS)
ECHUNK = 16384

_SC_MESH = plsc.VectorSubcoreMesh(core_axis_name="c", subcore_axis_name="s")

EPT = EE // NS
NSTR = EPT // 128
NPASS = 4
QROWS = NN // (NC * NPASS)
QW = QROWS * NN
QPAD = 128
SLICE = QW // NS


@functools.partial(
    pl.kernel,
    out_type=jax.ShapeDtypeStruct((NN * NN,), jnp.float32),
    mesh=_SC_MESH,
    scratch_types=[
        pltpu.VMEM((SLICE,), jnp.float32),
        pltpu.VMEM((EPT,), jnp.int32),
        pltpu.VMEM((EPT,), jnp.int32),
        pltpu.VMEM((EPT,), jnp.int32),
        pltpu.VMEM((EPT,), jnp.float32),
        pltpu.VMEM_SHARED((QW + QPAD,), jnp.float32),
        pltpu.SemaphoreType.DMA,
    ],
    compiler_params=pltpu.CompilerParams(needs_layout_passes=False),
)
def _build_mask(src_hbm, dst_hbm, mask_hbm, zbuf, srcv, dstv, idx2, ones_v,
                spq, ssem):
    cid = lax.axis_index("c")
    sid = lax.axis_index("s")
    zeros16 = jnp.zeros((LL,), jnp.float32)
    ones16 = jnp.ones((LL,), jnp.float32)

    off = sid * EPT
    pltpu.sync_copy(src_hbm.at[pl.ds(off, EPT)], srcv)
    pltpu.sync_copy(dst_hbm.at[pl.ds(off, EPT)], dstv)
    def ob(t, carry):
        ones_v[pl.ds(t * LL, LL)] = ones16
        return carry

    lax.fori_loop(0, EPT // LL, ob, 0, unroll=8)

    def zb(t, carry):
        zbuf[pl.ds(t * LL, LL)] = zeros16
        return carry

    lax.fori_loop(0, SLICE // LL, zb, 0, unroll=8)
    sbase = pl.multiple_of(sid * SLICE, 8)
    garb16 = QW + lax.iota(jnp.int32, LL)

    for q in range(NPASS):
        qq = cid * NPASS + q
        base = qq * QW
        pltpu.sync_copy(zbuf, spq.at[pl.ds(sbase, SLICE)])
        plsc.subcore_barrier()

        def ib(t, carry):
            s16 = srcv[pl.ds(t * LL, LL)]
            d16 = dstv[pl.ds(t * LL, LL)]
            rel = (s16 * NN + d16) - base
            m = (rel >= 0) & (rel < QW)
            idx2[pl.ds(t * LL, LL)] = jnp.where(m, rel, garb16)
            return carry

        lax.fori_loop(0, EPT // LL, ib, 0, unroll=8)

        pltpu.async_copy(ones_v, spq.at[idx2], ssem).wait()
        plsc.subcore_barrier()

        pltpu.sync_copy(
            spq.at[pl.ds(sbase, SLICE)],
            mask_hbm.at[pl.ds(pl.multiple_of(base + sbase, 8), SLICE)],
        )


BI2 = 256
GI2 = NN // BI2
BJ = 512
GJ = NN // BJ
_DN0 = (((0,), (0,)), ((), ()))


def _powmask_body(m1_ref, mask2_ref, cs1_ref, cs2_ref, mbf_ref):
    i = pl.program_id(0)

    @pl.when(i == 0)
    def _():
        mbf_ref[...] = m1_ref[...].astype(jnp.bfloat16)
        cs1_ref[...] = jax.lax.dot_general(
            m1_ref[...], jnp.ones((NN, 1), jnp.float32), _DN0,
            preferred_element_type=jnp.float32,
        )

    lhs = mbf_ref[pl.ds(i * BI2, BI2), :]
    c = jax.lax.dot(lhs, mbf_ref[...], preferred_element_type=jnp.float32)
    m2f = (c > 0.0).astype(jnp.float32)
    mask2_ref[...] = m2f.astype(jnp.bfloat16)
    part = jax.lax.dot_general(
        m2f, jnp.ones((BI2, 1), jnp.float32), _DN0,
        preferred_element_type=jnp.float32,
    )

    @pl.when(i == 0)
    def _():
        cs2_ref[...] = part

    @pl.when(i != 0)
    def _():
        cs2_ref[...] += part


_powmask = pl.pallas_call(
    _powmask_body,
    grid=(GI2,),
    in_specs=[
        pl.BlockSpec((NN, NN), lambda i: (0, 0)),
    ],
    out_specs=[
        pl.BlockSpec((BI2, NN), lambda i: (i, 0)),
        pl.BlockSpec((NN, 1), lambda i: (0, 0)),
        pl.BlockSpec((NN, 1), lambda i: (0, 0)),
    ],
    out_shape=[
        jax.ShapeDtypeStruct((NN, NN), jnp.bfloat16),
        jax.ShapeDtypeStruct((NN, 1), jnp.float32),
        jax.ShapeDtypeStruct((NN, 1), jnp.float32),
    ],
    scratch_shapes=[pltpu.VMEM((NN, NN), jnp.bfloat16)],
)


def _agg_body(m1_ref, m2_ref, x_ref, w_ref, b_ref, alpha_ref, cs1_ref,
              cs2_ref, out_ref):
    j = pl.program_id(0)
    a0 = alpha_ref[0]
    a1 = alpha_ref[1]
    h = jnp.dot(x_ref[...], w_ref[...], preferred_element_type=jnp.float32)
    d1 = jax.lax.rsqrt(cs1_ref[...] + 1.0)
    d2 = jax.lax.rsqrt(cs2_ref[...] + 1.0)
    g1 = (a0 * d1) * h
    g2 = (a1 * d2) * h
    s1 = jax.lax.dot_general(m1_ref[...], g1, _DN0,
                             preferred_element_type=jnp.float32)
    s2 = jax.lax.dot_general(m2_ref[...].astype(jnp.float32), g2, _DN0,
                             preferred_element_type=jnp.float32)
    d1j = jax.lax.rsqrt(cs1_ref[pl.ds(j * BJ, BJ), :] + 1.0)
    d2j = jax.lax.rsqrt(cs2_ref[pl.ds(j * BJ, BJ), :] + 1.0)
    hj = jnp.dot(x_ref[pl.ds(j * BJ, BJ), :], w_ref[...],
                 preferred_element_type=jnp.float32)
    out_ref[...] = (d1j * (s1 + (a0 * d1j) * hj)
                    + d2j * (s2 + (a1 * d2j) * hj)
                    + (a0 + a1) * b_ref[...])


_agg = pl.pallas_call(
    _agg_body,
    grid=(GJ,),
    in_specs=[
        pl.BlockSpec((NN, BJ), lambda j: (0, j)),
        pl.BlockSpec((NN, BJ), lambda j: (0, j)),
        pl.BlockSpec((NN, DF), lambda j: (0, 0)),
        pl.BlockSpec((DF, DF), lambda j: (0, 0)),
        pl.BlockSpec((1, DF), lambda j: (0, 0)),
        pl.BlockSpec(memory_space=pltpu.SMEM),
        pl.BlockSpec((NN, 1), lambda j: (0, 0)),
        pl.BlockSpec((NN, 1), lambda j: (0, 0)),
    ],
    out_specs=pl.BlockSpec((BJ, DF), lambda j: (j, 0)),
    out_shape=jax.ShapeDtypeStruct((NN, DF), jnp.float32),
)


def kernel(x, edge_index, W, b, alpha):
    src = edge_index[0]
    dst = edge_index[1]
    mask1 = _build_mask(src, dst).reshape(NN, NN)
    mask2, cs1, cs2 = _powmask(mask1)
    return _agg(mask1, mask2, x, W, b.reshape(1, DF), alpha, cs1, cs2)

# --- scband reference (transcript-rebuilt; emitter-appended) ---
"""Pipeline reference for scband-higher-order-gcnlayer-53111565582961 (READ-ONLY COPY).

The authoritative reference and input builder live on the scoring server;
editing this copy changes nothing except your own understanding.
"""

import jax, jax.numpy as jnp
import numpy as np

N_NODES = 2048
N_EDGES = 65536
D_FEAT = 128
MAX_ORDER = 2


def setup_inputs(seed: int = 0) -> dict:
    key = jax.random.key(seed)
    k1, k2, k3 = jax.random.split(key, 3)
    x = jax.random.normal(k1, (N_NODES, D_FEAT), dtype=jnp.float32)
    edge_index = jax.random.randint(k2, (2, N_EDGES), 0, N_NODES, dtype=jnp.int32)
    # GCNConv learned parameters (glorot-ish init) and bias
    W = jax.random.normal(k3, (D_FEAT, D_FEAT), dtype=jnp.float32) * (1.0 / np.sqrt(D_FEAT))
    b = jnp.zeros((D_FEAT,), dtype=jnp.float32)
    # alpha parameter initialized to ones (as in the torch module)
    alpha = jnp.ones((MAX_ORDER,), dtype=jnp.float32)
    return {"x": x, "edge_index": edge_index, "W": W, "b": b, "alpha": alpha}


def gcn_conv(x, src, dst, edge_weight, W, b, num_nodes):
    # PyG GCNConv with default add_self_loops=True, symmetric normalization,
    # edge_weight=None -> all ones.
    loop = jnp.arange(num_nodes, dtype=src.dtype)
    src = jnp.concatenate([src, loop])
    dst = jnp.concatenate([dst, loop])
    w = jnp.concatenate([edge_weight, jnp.ones((num_nodes,), dtype=jnp.float32)])
    deg = jnp.zeros((num_nodes,), dtype=jnp.float32).at[dst].add(w)
    deg_inv_sqrt = jnp.where(deg > 0, 1.0 / jnp.sqrt(deg), 0.0)
    norm = deg_inv_sqrt[src] * deg_inv_sqrt[dst] * w
    h = x @ W
    msg = h[src] * norm[:, None]
    out = jnp.zeros((num_nodes, h.shape[1]), dtype=h.dtype).at[dst].add(msg)
    return out + b


def reference(x, edge_index, W, b, alpha):
    num_nodes = x.shape[0]
    # to_dense_adj: accumulates duplicate edges
    adj = jnp.zeros((num_nodes, num_nodes), dtype=jnp.float32).at[
        edge_index[0], edge_index[1]
    ].add(1.0)
    adj_powers = [adj]
    for _ in range(1, MAX_ORDER):
        adj_powers.append(adj_powers[-1] @ adj)
    idx = jnp.arange(num_nodes, dtype=jnp.int32)
    src_all = jnp.repeat(idx, num_nodes)
    dst_all = jnp.tile(idx, num_nodes)
    h = 0
    for n in range(MAX_ORDER):
        # dense_to_sparse: nonzero positions (values discarded since GCNConv
        # is called without edge_weight)
        mask_n = (adj_powers[n] != 0).astype(jnp.float32).reshape(-1)
        h = h + alpha[n] * gcn_conv(x, src_all, dst_all, mask_n, W, b, num_nodes)
    return h

if __name__ == "__main__":
    import jax
    _d = setup_inputs()
    print(jax.jit(kernel)(*tuple(_d.values())))

</pallas_src>

<mosaic_0001>
#map = affine_map<(d0, d1) -> (0)>
module attributes {stable_mosaic.version = 14 : i64} {
  func.func @_build_mask(%arg0: i32, %arg1: i32, %arg2: memref<65536xi32, #tpu.memory_space<hbm>>, %arg3: memref<65536xi32, #tpu.memory_space<hbm>>, %arg4: memref<4194304xf32, #tpu.memory_space<hbm>>, %arg5: memref<32768xf32, #tpu.memory_space<vmem>>, %arg6: memref<4096xi32, #tpu.memory_space<vmem>>, %arg7: memref<4096xi32, #tpu.memory_space<vmem>>, %arg8: memref<4096xi32, #tpu.memory_space<vmem>>, %arg9: memref<4096xf32, #tpu.memory_space<vmem>>, %arg10: memref<524416xf32, #tpu.memory_space<vmem_shared>>, %arg11: memref<!tpu.dma_semaphore, #tpu.memory_space<semaphore_mem>>) attributes {dimension_semantics = [#tpu.dimension_semantics<core_parallel>, #tpu.dimension_semantics<subcore_parallel>], iteration_bounds = array<i64: 2, 16>, scalar_prefetch = 0 : i64, scratch_operands = 7 : i64, tpu.core_type = #tpu.core_type<sc_vector_subcore>, window_params = [{transform_indices = #map}, {transform_indices = #map}, {transform_indices = #map}]} {
    %broadcast_in_dim3A = arith.constant 0.000000e+00 : f32
    %broadcast_in_dim3A_0 = vector.broadcast %broadcast_in_dim3A : f32 to vector<16xf32>
    %broadcast_in_dim3A_1 = arith.constant 1.000000e+00 : f32
    %broadcast_in_dim3A_2 = vector.broadcast %broadcast_in_dim3A_1 : f32 to vector<16xf32>
    %mul3A = arith.constant 4096 : i32
    %mul3A_3 = arith.muli %arg1, %mul3A : i32
    "tpu.region"() ({
      %run_scoped3A = tpu.sem_alloc : memref<!tpu.dma_semaphore, #tpu.memory_space<semaphore_mem>>
      %dma_start3A_96 = tpu.memref_slice %arg2[%mul3A_3] : memref<65536xi32, #tpu.memory_space<hbm>> -> memref<4096xi32, #tpu.memory_space<hbm>>
      %dma_start3A_97 = tpu.memref_slice %arg2[%mul3A_3] : memref<65536xi32, #tpu.memory_space<hbm>> -> memref<4096xi32, #tpu.memory_space<hbm>>
      tpu.enqueue_dma source(%dma_start3A_97 : memref<4096xi32, #tpu.memory_space<hbm>>) target(%arg6 : memref<4096xi32, #tpu.memory_space<vmem>>) target_semaphore(%run_scoped3A : memref<!tpu.dma_semaphore, #tpu.memory_space<semaphore_mem>>)
      %dma_wait3A_98 = tpu.memref_slice %arg2[%mul3A_3] : memref<65536xi32, #tpu.memory_space<hbm>> -> memref<4096xi32, #tpu.memory_space<hbm>>
      %dma_wait3A_99 = tpu.memref_slice %arg2[%mul3A_3] : memref<65536xi32, #tpu.memory_space<hbm>> -> memref<4096xi32, #tpu.memory_space<hbm>>
      tpu.wait_dma2 semaphore(%run_scoped3A : memref<!tpu.dma_semaphore, #tpu.memory_space<semaphore_mem>>) src(%dma_wait3A_99 : memref<4096xi32, #tpu.memory_space<hbm>>) dst(%arg6 : memref<4096xi32, #tpu.memory_space<vmem>>)
      tpu.yield
    }) : () -> ()
    "tpu.region"() ({
      %run_scoped3A = tpu.sem_alloc : memref<!tpu.dma_semaphore, #tpu.memory_space<semaphore_mem>>
      %dma_start3A_96 = tpu.memref_slice %arg3[%mul3A_3] : memref<65536xi32, #tpu.memory_space<hbm>> -> memref<4096xi32, #tpu.memory_space<hbm>>
      %dma_start3A_97 = tpu.memref_slice %arg3[%mul3A_3] : memref<65536xi32, #tpu.memory_space<hbm>> -> memref<4096xi32, #tpu.memory_space<hbm>>
      tpu.enqueue_dma source(%dma_start3A_97 : memref<4096xi32, #tpu.memory_space<hbm>>) target(%arg7 : memref<4096xi32, #tpu.memory_space<vmem>>) target_semaphore(%run_scoped3A : memref<!tpu.dma_semaphore, #tpu.memory_space<semaphore_mem>>)
      %dma_wait3A_98 = tpu.memref_slice %arg3[%mul3A_3] : memref<65536xi32, #tpu.memory_space<hbm>> -> memref<4096xi32, #tpu.memory_space<hbm>>
      %dma_wait3A_99 = tpu.memref_slice %arg3[%mul3A_3] : memref<65536xi32, #tpu.memory_space<hbm>> -> memref<4096xi32, #tpu.memory_space<hbm>>
      tpu.wait_dma2 semaphore(%run_scoped3A : memref<!tpu.dma_semaphore, #tpu.memory_space<semaphore_mem>>) src(%dma_wait3A_99 : memref<4096xi32, #tpu.memory_space<hbm>>) dst(%arg7 : memref<4096xi32, #tpu.memory_space<vmem>>)
      tpu.yield
    }) : () -> ()
    %scan3A = arith.constant 0 : i32
    %scan3A_4 = arith.constant 0 : i32
    %scan3A_5 = arith.constant 256 : i32
    %scan3A_6 = arith.addi %scan3A_4, %scan3A_5 : i32
    %scan3A_7 = arith.constant 8 : i32
    scf.for %scan3A_96 = %scan3A_4 to %scan3A_6 step %scan3A_7  : i32 {
      %mul3A_97 = arith.constant 16 : i32
      %mul3A_98 = arith.muli %scan3A_96, %mul3A_97 : i32
      %swap3A = arith.index_cast %mul3A_98 : i32 to index
      %swap3A_99 = tpu.vector_load %arg9[%swap3A] {strides = array<i32>} : memref<4096xf32, #tpu.memory_space<vmem>>, vector<16xf32>,
      tpu.vector_store %arg9[%swap3A], %broadcast_in_dim3A_2 {strides = array<i32>} : memref<4096xf32, #tpu.memory_space<vmem>>, vector<16xf32>,
      %scan3A_100 = arith.constant 1 : i32
      %scan3A_101 = arith.addi %scan3A_96, %scan3A_100 : i32
      %mul3A_102 = arith.constant 16 : i32
      %mul3A_103 = arith.muli %scan3A_101, %mul3A_102 : i32
      %swap3A_104 = arith.index_cast %mul3A_103 : i32 to index
      %swap3A_105 = tpu.vector_load %arg9[%swap3A_104] {strides = array<i32>} : memref<4096xf32, #tpu.memory_space<vmem>>, vector<16xf32>,
      tpu.vector_store %arg9[%swap3A_104], %broadcast_in_dim3A_2 {strides = array<i32>} : memref<4096xf32, #tpu.memory_space<vmem>>, vector<16xf32>,
      %scan3A_106 = arith.constant 2 : i32
      %scan3A_107 = arith.addi %scan3A_96, %scan3A_106 : i32
      %mul3A_108 = arith.constant 16 : i32
      %mul3A_109 = arith.muli %scan3A_107, %mul3A_108 : i32
      %swap3A_110 = arith.index_cast %mul3A_109 : i32 to index
      %swap3A_111 = tpu.vector_load %arg9[%swap3A_110] {strides = array<i32>} : memref<4096xf32, #tpu.memory_space<vmem>>, vector<16xf32>,
      tpu.vector_store %arg9[%swap3A_110], %broadcast_in_dim3A_2 {strides = array<i32>} : memref<4096xf32, #tpu.memory_space<vmem>>, vector<16xf32>,
      %scan3A_112 = arith.constant 3 : i32
      %scan3A_113 = arith.addi %scan3A_96, %scan3A_112 : i32
      %mul3A_114 = arith.constant 16 : i32
      %mul3A_115 = arith.muli %scan3A_113, %mul3A_114 : i32
      %swap3A_116 = arith.index_cast %mul3A_115 : i32 to index
      %swap3A_117 = tpu.vector_load %arg9[%swap3A_116] {strides = array<i32>} : memref<4096xf32, #tpu.memory_space<vmem>>, vector<16xf32>,
      tpu.vector_store %arg9[%swap3A_116], %broadcast_in_dim3A_2 {strides = array<i32>} : memref<4096xf32, #tpu.memory_space<vmem>>, vector<16xf32>,
      %scan3A_118 = arith.constant 4 : i32
      %scan3A_119 = arith.addi %scan3A_96, %scan3A_118 : i32
      %mul3A_120 = arith.constant 16 : i32
      %mul3A_121 = arith.muli %scan3A_119, %mul3A_120 : i32
      %swap3A_122 = arith.index_cast %mul3A_121 : i32 to index
      %swap3A_123 = tpu.vector_load %arg9[%swap3A_122] {strides = array<i32>} : memref<4096xf32, #tpu.memory_space<vmem>>, vector<16xf32>,
      tpu.vector_store %arg9[%swap3A_122], %broadcast_in_dim3A_2 {strides = array<i32>} : memref<4096xf32, #tpu.memory_space<vmem>>, vector<16xf32>,
      %scan3A_124 = arith.constant 5 : i32
      %scan3A_125 = arith.addi %scan3A_96, %scan3A_124 : i32
      %mul3A_126 = arith.constant 16 : i32
      %mul3A_127 = arith.muli %scan3A_125, %mul3A_126 : i32
      %swap3A_128 = arith.index_cast %mul3A_127 : i32 to index
      %swap3A_129 = tpu.vector_load %arg9[%swap3A_128] {strides = array<i32>} : memref<4096xf32, #tpu.memory_space<vmem>>, vector<16xf32>,
      tpu.vector_store %arg9[%swap3A_128], %broadcast_in_dim3A_2 {strides = array<i32>} : memref<4096xf32, #tpu.memory_space<vmem>>, vector<16xf32>,
      %scan3A_130 = arith.constant 6 : i32
      %scan3A_131 = arith.addi %scan3A_96, %scan3A_130 : i32
      %mul3A_132 = arith.constant 16 : i32
      %mul3A_133 = arith.muli %scan3A_131, %mul3A_132 : i32
      %swap3A_134 = arith.index_cast %mul3A_133 : i32 to index
      %swap3A_135 = tpu.vector_load %arg9[%swap3A_134] {strides = array<i32>} : memref<4096xf32, #tpu.memory_space<vmem>>, vector<16xf32>,
      tpu.vector_store %arg9[%swap3A_134], %broadcast_in_dim3A_2 {strides = array<i32>} : memref<4096xf32, #tpu.memory_space<vmem>>, vector<16xf32>,
      %scan3A_136 = arith.constant 7 : i32
      %scan3A_137 = arith.addi %scan3A_96, %scan3A_136 : i32
      %mul3A_138 = arith.constant 16 : i32
      %mul3A_139 = arith.muli %scan3A_137, %mul3A_138 : i32
      %swap3A_140 = arith.index_cast %mul3A_139 : i32 to index
      %swap3A_141 = tpu.vector_load %arg9[%swap3A_140] {strides = array<i32>} : memref<4096xf32, #tpu.memory_space<vmem>>, vector<16xf32>,
      tpu.vector_store %arg9[%swap3A_140], %broadcast_in_dim3A_2 {strides = array<i32>} : memref<4096xf32, #tpu.memory_space<vmem>>, vector<16xf32>,
    }
    %scan3A_8 = arith.constant 256 : i32
    %scan3A_9 = arith.constant 0 : i32
    %scan3A_10 = arith.constant 0 : i32
    %scan3A_11 = arith.constant 2048 : i32
    %scan3A_12 = arith.addi %scan3A_10, %scan3A_11 : i32
    %scan3A_13 = arith.constant 8 : i32
    scf.for %scan3A_96 = %scan3A_10 to %scan3A_12 step %scan3A_13  : i32 {
      %mul3A_97 = arith.constant 16 : i32
      %mul3A_98 = arith.muli %scan3A_96, %mul3A_97 : i32
      %swap3A = arith.index_cast %mul3A_98 : i32 to index
      %swap3A_99 = tpu.vector_load %arg5[%swap3A] {strides = array<i32>} : memref<32768xf32, #tpu.memory_space<vmem>>, vector<16xf32>,
      tpu.vector_store %arg5[%swap3A], %broadcast_in_dim3A_0 {strides = array<i32>} : memref<32768xf32, #tpu.memory_space<vmem>>, vector<16xf32>,
      %scan3A_100 = arith.constant 1 : i32
      %scan3A_101 = arith.addi %scan3A_96, %scan3A_100 : i32
      %mul3A_102 = arith.constant 16 : i32
      %mul3A_103 = arith.muli %scan3A_101, %mul3A_102 : i32
      %swap3A_104 = arith.index_cast %mul3A_103 : i32 to index
      %swap3A_105 = tpu.vector_load %arg5[%swap3A_104] {strides = array<i32>} : memref<32768xf32, #tpu.memory_space<vmem>>, vector<16xf32>,
      tpu.vector_store %arg5[%swap3A_104], %broadcast_in_dim3A_0 {strides = array<i32>} : memref<32768xf32, #tpu.memory_space<vmem>>, vector<16xf32>,
      %scan3A_106 = arith.constant 2 : i32
      %scan3A_107 = arith.addi %scan3A_96, %scan3A_106 : i32
      %mul3A_108 = arith.constant 16 : i32
      %mul3A_109 = arith.muli %scan3A_107, %mul3A_108 : i32
      %swap3A_110 = arith.index_cast %mul3A_109 : i32 to index
      %swap3A_111 = tpu.vector_load %arg5[%swap3A_110] {strides = array<i32>} : memref<32768xf32, #tpu.memory_space<vmem>>, vector<16xf32>,
      tpu.vector_store %arg5[%swap3A_110], %broadcast_in_dim3A_0 {strides = array<i32>} : memref<32768xf32, #tpu.memory_space<vmem>>, vector<16xf32>,
      %scan3A_112 = arith.constant 3 : i32
      %scan3A_113 = arith.addi %scan3A_96, %scan3A_112 : i32
      %mul3A_114 = arith.constant 16 : i32
      %mul3A_115 = arith.muli %scan3A_113, %mul3A_114 : i32
      %swap3A_116 = arith.index_cast %mul3A_115 : i32 to index
      %swap3A_117 = tpu.vector_load %arg5[%swap3A_116] {strides = array<i32>} : memref<32768xf32, #tpu.memory_space<vmem>>, vector<16xf32>,
      tpu.vector_store %arg5[%swap3A_116], %broadcast_in_dim3A_0 {strides = array<i32>} : memref<32768xf32, #tpu.memory_space<vmem>>, vector<16xf32>,
      %scan3A_118 = arith.constant 4 : i32
      %scan3A_119 = arith.addi %scan3A_96, %scan3A_118 : i32
      %mul3A_120 = arith.constant 16 : i32
      %mul3A_121 = arith.muli %scan3A_119, %mul3A_120 : i32
      %swap3A_122 = arith.index_cast %mul3A_121 : i32 to index
      %swap3A_123 = tpu.vector_load %arg5[%swap3A_122] {strides = array<i32>} : memref<32768xf32, #tpu.memory_space<vmem>>, vector<16xf32>,
      tpu.vector_store %arg5[%swap3A_122], %broadcast_in_dim3A_0 {strides = array<i32>} : memref<32768xf32, #tpu.memory_space<vmem>>, vector<16xf32>,
      %scan3A_124 = arith.constant 5 : i32
      %scan3A_125 = arith.addi %scan3A_96, %scan3A_124 : i32
      %mul3A_126 = arith.constant 16 : i32
      %mul3A_127 = arith.muli %scan3A_125, %mul3A_126 : i32
      %swap3A_128 = arith.index_cast %mul3A_127 : i32 to index
      %swap3A_129 = tpu.vector_load %arg5[%swap3A_128] {strides = array<i32>} : memref<32768xf32, #tpu.memory_space<vmem>>, vector<16xf32>,
      tpu.vector_store %arg5[%swap3A_128], %broadcast_in_dim3A_0 {strides = array<i32>} : memref<32768xf32, #tpu.memory_space<vmem>>, vector<16xf32>,
      %scan3A_130 = arith.constant 6 : i32
      %scan3A_131 = arith.addi %scan3A_96, %scan3A_130 : i32
      %mul3A_132 = arith.constant 16 : i32
      %mul3A_133 = arith.muli %scan3A_131, %mul3A_132 : i32
      %swap3A_134 = arith.index_cast %mul3A_133 : i32 to index
      %swap3A_135 = tpu.vector_load %arg5[%swap3A_134] {strides = array<i32>} : memref<32768xf32, #tpu.memory_space<vmem>>, vector<16xf32>,
      tpu.vector_store %arg5[%swap3A_134], %broadcast_in_dim3A_0 {strides = array<i32>} : memref<32768xf32, #tpu.memory_space<vmem>>, vector<16xf32>,
      %scan3A_136 = arith.constant 7 : i32
      %scan3A_137 = arith.addi %scan3A_96, %scan3A_136 : i32
      %mul3A_138 = arith.constant 16 : i32
      %mul3A_139 = arith.muli %scan3A_137, %mul3A_138 : i32
      %swap3A_140 = arith.index_cast %mul3A_139 : i32 to index
      %swap3A_141 = tpu.vector_load %arg5[%swap3A_140] {strides = array<i32>} : memref<32768xf32, #tpu.memory_space<vmem>>, vector<16xf32>,
      tpu.vector_store %arg5[%swap3A_140], %broadcast_in_dim3A_0 {strides = array<i32>} : memref<32768xf32, #tpu.memory_space<vmem>>, vector<16xf32>,
    }
    %scan3A_14 = arith.constant 2048 : i32
    %mul3A_15 = arith.constant 32768 : i32
    %mul3A_16 = arith.muli %arg1, %mul3A_15 : i32
    %multiple_of3A = tpu.assume_multiple %mul3A_16, 8 : i32
    %iota3A = tpu.iota {dimensions = array<i32: 0>} : vector<16xi32>
    %add3A = arith.constant 524288 : i32
    %add3A_17 = vector.broadcast %add3A : i32 to vector<16xi32>
    %add3A_18 = arith.addi %add3A_17, %iota3A : vector<16xi32>
    %mul3A_19 = arith.constant 4 : i32
    %mul3A_20 = arith.muli %arg0, %mul3A_19 : i32
    %add3A_21 = arith.constant 0 : i32
    %add3A_22 = arith.addi %mul3A_20, %add3A_21 : i32
    %mul3A_23 = arith.constant 524288 : i32
    %mul3A_24 = arith.muli %add3A_22, %mul3A_23 : i32
    "tpu.region"() ({
      %run_scoped3A = tpu.sem_alloc : memref<!tpu.dma_semaphore, #tpu.memory_space<semaphore_mem>>
      %dma_start3A_96 = tpu.memref_slice %arg10[%multiple_of3A] : memref<524416xf32, #tpu.memory_space<vmem_shared>> -> memref<32768xf32, #tpu.memory_space<vmem_shared>>
      %dma_start3A_97 = tpu.memref_slice %arg10[%multiple_of3A] : memref<524416xf32, #tpu.memory_space<vmem_shared>> -> memref<32768xf32, #tpu.memory_space<vmem_shared>>
      tpu.enqueue_dma source(%arg5 : memref<32768xf32, #tpu.memory_space<vmem>>) target(%dma_start3A_97 : memref<32768xf32, #tpu.memory_space<vmem_shared>>) target_semaphore(%run_scoped3A : memref<!tpu.dma_semaphore, #tpu.memory_space<semaphore_mem>>)
      %dma_wait3A_98 = tpu.memref_slice %arg10[%multiple_of3A] : memref<524416xf32, #tpu.memory_space<vmem_shared>> -> memref<32768xf32, #tpu.memory_space<vmem_shared>>
      %dma_wait3A_99 = tpu.memref_slice %arg10[%multiple_of3A] : memref<524416xf32, #tpu.memory_space<vmem_shared>> -> memref<32768xf32, #tpu.memory_space<vmem_shared>>
      tpu.wait_dma2 semaphore(%run_scoped3A : memref<!tpu.dma_semaphore, #tpu.memory_space<semaphore_mem>>) src(%arg5 : memref<32768xf32, #tpu.memory_space<vmem>>) dst(%dma_wait3A_99 : memref<32768xf32, #tpu.memory_space<vmem_shared>>)
      tpu.yield
    }) : () -> ()
    %barrier3A = arith.constant 0 : index
    tpu.barrier barrier_id(%barrier3A)
    %scan3A_25 = arith.constant 0 : i32
    %scan3A_26 = arith.constant 0 : i32
    %scan3A_27 = arith.constant 256 : i32
    %scan3A_28 = arith.addi %scan3A_26, %scan3A_27 : i32
    %scan3A_29 = arith.constant 8 : i32
    scf.for %scan3A_96 = %scan3A_26 to %scan3A_28 step %scan3A_29  : i32 {
      %mul3A_97 = arith.constant 16 : i32
      %mul3A_98 = arith.muli %scan3A_96, %mul3A_97 : i32
      %get3A = arith.index_cast %mul3A_98 : i32 to index
      %get3A_99 = tpu.vector_load %arg6[%get3A] {strides = array<i32>} : memref<4096xi32, #tpu.memory_space<vmem>>, vector<16xi32>,
      %mul3A_100 = arith.constant 16 : i32
      %mul3A_101 = arith.muli %scan3A_96, %mul3A_100 : i32
      %get3A_102 = arith.index_cast %mul3A_101 : i32 to index
      %get3A_103 = tpu.vector_load %arg7[%get3A_102] {strides = array<i32>} : memref<4096xi32, #tpu.memory_space<vmem>>, vector<16xi32>,
      %mul3A_104 = arith.constant 2048 : i32
      %mul3A_105 = vector.broadcast %mul3A_104 : i32 to vector<16xi32>
      %mul3A_106 = arith.muli %get3A_99, %mul3A_105 : vector<16xi32>
      %add3A_107 = arith.addi %mul3A_106, %get3A_103 : vector<16xi32>
      %sub3A = vector.broadcast %mul3A_24 : i32 to vector<16xi32>
      %sub3A_108 = arith.subi %add3A_107, %sub3A : vector<16xi32>
      %ge3A = arith.constant 0 : i32
      %ge3A_109 = vector.broadcast %ge3A : i32 to vector<16xi32>
      %ge3A_110 = arith.cmpi sge, %sub3A_108, %ge3A_109 : vector<16xi32>
      %lt3A = arith.constant 524288 : i32
      %lt3A_111 = vector.broadcast %lt3A : i32 to vector<16xi32>
      %lt3A_112 = arith.cmpi slt, %sub3A_108, %lt3A_111 : vector<16xi32>
      %and3A = arith.andi %ge3A_110, %lt3A_112 : vector<16xi1>
      %select_n3A = arith.select %and3A, %sub3A_108, %add3A_18 : vector<16xi1>, vector<16xi32>
      %mul3A_113 = arith.constant 16 : i32
      %mul3A_114 = arith.muli %scan3A_96, %mul3A_113 : i32
      %swap3A = arith.index_cast %mul3A_114 : i32 to index
      %swap3A_115 = tpu.vector_load %arg8[%swap3A] {strides = array<i32>} : memref<4096xi32, #tpu.memory_space<vmem>>, vector<16xi32>,
      tpu.vector_store %arg8[%swap3A], %select_n3A {strides = array<i32>} : memref<4096xi32, #tpu.memory_space<vmem>>, vector<16xi32>,
      %scan3A_116 = arith.constant 1 : i32
      %scan3A_117 = arith.addi %scan3A_96, %scan3A_116 : i32
      %mul3A_118 = arith.constant 16 : i32
      %mul3A_119 = arith.muli %scan3A_117, %mul3A_118 : i32
      %get3A_120 = arith.index_cast %mul3A_119 : i32 to index
      %get3A_121 = tpu.vector_load %arg6[%get3A_120] {strides = array<i32>} : memref<4096xi32, #tpu.memory_space<vmem>>, vector<16xi32>,
      %mul3A_122 = arith.constant 16 : i32
      %mul3A_123 = arith.muli %scan3A_117, %mul3A_122 : i32
      %get3A_124 = arith.index_cast %mul3A_123 : i32 to index
      %get3A_125 = tpu.vector_load %arg7[%get3A_124] {strides = array<i32>} : memref<4096xi32, #tpu.memory_space<vmem>>, vector<16xi32>,
      %mul3A_126 = arith.constant 2048 : i32
      %mul3A_127 = vector.broadcast %mul3A_126 : i32 to vector<16xi32>
      %mul3A_128 = arith.muli %get3A_121, %mul3A_127 : vector<16xi32>
      %add3A_129 = arith.addi %mul3A_128, %get3A_125 : vector<16xi32>
      %sub3A_130 = vector.broadcast %mul3A_24 : i32 to vector<16xi32>
      %sub3A_131 = arith.subi %add3A_129, %sub3A_130 : vector<16xi32>
      %ge3A_132 = arith.constant 0 : i32
      %ge3A_133 = vector.broadcast %ge3A_132 : i32 to vector<16xi32>
      %ge3A_134 = arith.cmpi sge, %sub3A_131, %ge3A_133 : vector<16xi32>
      %lt3A_135 = arith.constant 524288 : i32
      %lt3A_136 = vector.broadcast %lt3A_135 : i32 to vector<16xi32>
      %lt3A_137 = arith.cmpi slt, %sub3A_131, %lt3A_136 : vector<16xi32>
      %and3A_138 = arith.andi %ge3A_134, %lt3A_137 : vector<16xi1>
      %select_n3A_139 = arith.select %and3A_138, %sub3A_131, %add3A_18 : vector<16xi1>, vector<16xi32>
      %mul3A_140 = arith.constant 16 : i32
      %mul3A_141 = arith.muli %scan3A_117, %mul3A_140 : i32
      %swap3A_142 = arith.index_cast %mul3A_141 : i32 to index
      %swap3A_143 = tpu.vector_load %arg8[%swap3A_142] {strides = array<i32>} : memref<4096xi32, #tpu.memory_space<vmem>>, vector<16xi32>,
      tpu.vector_store %arg8[%swap3A_142], %select_n3A_139 {strides = array<i32>} : memref<4096xi32, #tpu.memory_space<vmem>>, vector<16xi32>,
      %scan3A_144 = arith.constant 2 : i32
      %scan3A_145 = arith.addi %scan3A_96, %scan3A_144 : i32
      %mul3A_146 = arith.constant 16 : i32
      %mul3A_147 = arith.muli %scan3A_145, %mul3A_146 : i32
      %get3A_148 = arith.index_cast %mul3A_147 : i32 to index
      %get3A_149 = tpu.vector_load %arg6[%get3A_148] {strides = array<i32>} : memref<4096xi32, #tpu.memory_space<vmem>>, vector<16xi32>,
      %mul3A_150 = arith.constant 16 : i32
      %mul3A_151 = arith.muli %scan3A_145, %mul3A_150 : i32
      %get3A_152 = arith.index_cast %mul3A_151 : i32 to index
      %get3A_153 = tpu.vector_load %arg7[%get3A_152] {strides = array<i32>} : memref<4096xi32, #tpu.memory_space<vmem>>, vector<16xi32>,
      %mul3A_154 = arith.constant 2048 : i32
      %mul3A_155 = vector.broadcast %mul3A_154 : i32 to vector<16xi32>
      %mul3A_156 = arith.muli %get3A_149, %mul3A_155 : vector<16xi32>
      %add3A_157 = arith.addi %mul3A_156, %get3A_153 : vector<16xi32>
      %sub3A_158 = vector.broadcast %mul3A_24 : i32 to vector<16xi32>
      %sub3A_159 = arith.subi %add3A_157, %sub3A_158 : vector<16xi32>
      %ge3A_160 = arith.constant 0 : i32
      %ge3A_161 = vector.broadcast %ge3A_160 : i32 to vector<16xi32>
      %ge3A_162 = arith.cmpi sge, %sub3A_159, %ge3A_161 : vector<16xi32>
      %lt3A_163 = arith.constant 524288 : i32
      %lt3A_164 = vector.broadcast %lt3A_163 : i32 to vector<16xi32>
      %lt3A_165 = arith.cmpi slt, %sub3A_159, %lt3A_164 : vector<16xi32>
      %and3A_166 = arith.andi %ge3A_162, %lt3A_165 : vector<16xi1>
      %select_n3A_167 = arith.select %and3A_166, %sub3A_159, %add3A_18 : vector<16xi1>, vector<16xi32>
      %mul3A_168 = arith.constant 16 : i32
      %mul3A_169 = arith.muli %scan3A_145, %mul3A_168 : i32
      %swap3A_170 = arith.index_cast %mul3A_169 : i32 to index
      %swap3A_171 = tpu.vector_load %arg8[%swap3A_170] {strides = array<i32>} : memref<4096xi32, #tpu.memory_space<vmem>>, vector<16xi32>,
      tpu.vector_store %arg8[%swap3A_170], %select_n3A_167 {strides = array<i32>} : memref<4096xi32, #tpu.memory_space<vmem>>, vector<16xi32>,
      %scan3A_172 = arith.constant 3 : i32
      %scan3A_173 = arith.addi %scan3A_96, %scan3A_172 : i32
      %mul3A_174 = arith.constant 16 : i32
      %mul3A_175 = arith.muli %scan3A_173, %mul3A_174 : i32
      %get3A_176 = arith.index_cast %mul3A_175 : i32 to index
      %get3A_177 = tpu.vector_load %arg6[%get3A_176] {strides = array<i32>} : memref<4096xi32, #tpu.memory_space<vmem>>, vector<16xi32>,
      %mul3A_178 = arith.constant 16 : i32
      %mul3A_179 = arith.muli %scan3A_173, %mul3A_178 : i32
      %get3A_180 = arith.index_cast %mul3A_179 : i32 to index
      %get3A_181 = tpu.vector_load %arg7[%get3A_180] {strides = array<i32>} : memref<4096xi32, #tpu.memory_space<vmem>>, vector<16xi32>,
      %mul3A_182 = arith.constant 2048 : i32
      %mul3A_183 = vector.broadcast %mul3A_182 : i32 to vector<16xi32>
      %mul3A_184 = arith.muli %get3A_177, %mul3A_183 : vector<16xi32>
      %add3A_185 = arith.addi %mul3A_184, %get3A_181 : vector<16xi32>
      %sub3A_186 = vector.broadcast %mul3A_24 : i32 to vector<16xi32>
      %sub3A_187 = arith.subi %add3A_185, %sub3A_186 : vector<16xi32>
      %ge3A_188 = arith.constant 0 : i32
      %ge3A_189 = vector.broadcast %ge3A_188 : i32 to vector<16xi32>
      %ge3A_190 = arith.cmpi sge, %sub3A_187, %ge3A_189 : vector<16xi32>
      %lt3A_191 = arith.constant 524288 : i32
      %lt3A_192 = vector.broadcast %lt3A_191 : i32 to vector<16xi32>
      %lt3A_193 = arith.cmpi slt, %sub3A_187, %lt3A_192 : vector<16xi32>
      %and3A_194 = arith.andi %ge3A_190, %lt3A_193 : vector<16xi1>
      %select_n3A_195 = arith.select %and3A_194, %sub3A_187, %add3A_18 : vector<16xi1>, vector<16xi32>
      %mul3A_196 = arith.constant 16 : i32
      %mul3A_197 = arith.muli %scan3A_173, %mul3A_196 : i32
      %swap3A_198 = arith.index_cast %mul3A_197 : i32 to index
      %swap3A_199 = tpu.vector_load %arg8[%swap3A_198] {strides = array<i32>} : memref<4096xi32, #tpu.memory_space<vmem>>, vector<16xi32>,
      tpu.vector_store %arg8[%swap3A_198], %select_n3A_195 {strides = array<i32>} : memref<4096xi32, #tpu.memory_space<vmem>>, vector<16xi32>,
      %scan3A_200 = arith.constant 4 : i32
      %scan3A_201 = arith.addi %scan3A_96, %scan3A_200 : i32
      %mul3A_202 = arith.constant 16 : i32
      %mul3A_203 = arith.muli %scan3A_201, %mul3A_202 : i32
      %get3A_204 = arith.index_cast %mul3A_203 : i32 to index
      %get3A_205 = tpu.vector_load %arg6[%get3A_204] {strides = array<i32>} : memref<4096xi32, #tpu.memory_space<vmem>>, vector<16xi32>,
      %mul3A_206 = arith.constant 16 : i32
      %mul3A_207 = arith.muli %scan3A_201, %mul3A_206 : i32
      %get3A_208 = arith.index_cast %mul3A_207 : i32 to index
      %get3A_209 = tpu.vector_load %arg7[%get3A_208] {strides = array<i32>} : memref<4096xi32, #tpu.memory_space<vmem>>, vector<16xi32>,
      %mul3A_210 = arith.constant 2048 : i32
      %mul3A_211 = vector.broadcast %mul3A_210 : i32 to vector<16xi32>
      %mul3A_212 = arith.muli %get3A_205, %mul3A_211 : vector<16xi32>
      %add3A_213 = arith.addi %mul3A_212, %get3A_209 : vector<16xi32>
      %sub3A_214 = vector.broadcast %mul3A_24 : i32 to vector<16xi32>
      %sub3A_215 = arith.subi %add3A_213, %sub3A_214 : vector<16xi32>
      %ge3A_216 = arith.constant 0 : i32
      %ge3A_217 = vector.broadcast %ge3A_216 : i32 to vector<16xi32>
      %ge3A_218 = arith.cmpi sge, %sub3A_215, %ge3A_217 : vector<16xi32>
      %lt3A_219 = arith.constant 524288 : i32
      %lt3A_220 = vector.broadcast %lt3A_219 : i32 to vector<16xi32>
      %lt3A_221 = arith.cmpi slt, %sub3A_215, %lt3A_220 : vector<16xi32>
      %and3A_222 = arith.andi %ge3A_218, %lt3A_221 : vector<16xi1>
      %select_n3A_223 = arith.select %and3A_222, %sub3A_215, %add3A_18 : vector<16xi1>, vector<16xi32>
      %mul3A_224 = arith.constant 16 : i32
      %mul3A_225 = arith.muli %scan3A_201, %mul3A_224 : i32
      %swap3A_226 = arith.index_cast %mul3A_225 : i32 to index
      %swap3A_227 = tpu.vector_load %arg8[%swap3A_226] {strides = array<i32>} : memref<4096xi32, #tpu.memory_space<vmem>>, vector<16xi32>,
      tpu.vector_store %arg8[%swap3A_226], %select_n3A_223 {strides = array<i32>} : memref<4096xi32, #tpu.memory_space<vmem>>, vector<16xi32>,
      %scan3A_228 = arith.constant 5 : i32
      %scan3A_229 = arith.addi %scan3A_96, %scan3A_228 : i32
      %mul3A_230 = arith.constant 16 : i32
      %mul3A_231 = arith.muli %scan3A_229, %mul3A_230 : i32
      %get3A_232 = arith.index_cast %mul3A_231 : i32 to index
      %get3A_233 = tpu.vector_load %arg6[%get3A_232] {strides = array<i32>} : memref<4096xi32, #tpu.memory_space<vmem>>, vector<16xi32>,
      %mul3A_234 = arith.constant 16 : i32
      %mul3A_235 = arith.muli %scan3A_229, %mul3A_234 : i32
      %get3A_236 = arith.index_cast %mul3A_235 : i32 to index
      %get3A_237 = tpu.vector_load %arg7[%get3A_236] {strides = array<i32>} : memref<4096xi32, #tpu.memory_space<vmem>>, vector<16xi32>,
      %mul3A_238 = arith.constant 2048 : i32
      %mul3A_239 = vector.broadcast %mul3A_238 : i32 to vector<16xi32>
      %mul3A_240 = arith.muli %get3A_233, %mul3A_239 : vector<16xi32>
      %add3A_241 = arith.addi %mul3A_240, %get3A_237 : vector<16xi32>
      %sub3A_242 = vector.broadcast %mul3A_24 : i32 to vector<16xi32>
      %sub3A_243 = arith.subi %add3A_241, %sub3A_242 : vector<16xi32>
      %ge3A_244 = arith.constant 0 : i32
      %ge3A_245 = vector.broadcast %ge3A_244 : i32 to vector<16xi32>
      %ge3A_246 = arith.cmpi sge, %sub3A_243, %ge3A_245 : vector<16xi32>
      %lt3A_247 = arith.constant 524288 : i32
      %lt3A_248 = vector.broadcast %lt3A_247 : i32 to vector<16xi32>
      %lt3A_249 = arith.cmpi slt, %sub3A_243, %lt3A_248 : vector<16xi32>
      %and3A_250 = arith.andi %ge3A_246, %lt3A_249 : vector<16xi1>
      %select_n3A_251 = arith.select %and3A_250, %sub3A_243, %add3A_18 : vector<16xi1>, vector<16xi32>
      %mul3A_252 = arith.constant 16 : i32
      %mul3A_253 = arith.muli %scan3A_229, %mul3A_252 : i32
      %swap3A_254 = arith.index_cast %mul3A_253 : i32 to index
      %swap3A_255 = tpu.vector_load %arg8[%swap3A_254] {strides = array<i32>} : memref<4096xi32, #tpu.memory_space<vmem>>, vector<16xi32>,
      tpu.vector_store %arg8[%swap3A_254], %select_n3A_251 {strides = array<i32>} : memref<4096xi32, #tpu.memory_space<vmem>>, vector<16xi32>,
      %scan3A_256 = arith.constant 6 : i32
      %scan3A_257 = arith.addi %scan3A_96, %scan3A_256 : i32
      %mul3A_258 = arith.constant 16 : i32
      %mul3A_259 = arith.muli %scan3A_257, %mul3A_258 : i32
      %get3A_260 = arith.index_cast %mul3A_259 : i32 to index
      %get3A_261 = tpu.vector_load %arg6[%get3A_260] {strides = array<i32>} : memref<4096xi32, #tpu.memory_space<vmem>>, vector<16xi32>,
      %mul3A_262 = arith.constant 16 : i32
      %mul3A_263 = arith.muli %scan3A_257, %mul3A_262 : i32
      %get3A_264 = arith.index_cast %mul3A_263 : i32 to index
      %get3A_265 = tpu.vector_load %arg7[%get3A_264] {strides = array<i32>} : memref<4096xi32, #tpu.memory_space<vmem>>, vector<16xi32>,
      %mul3A_266 = arith.constant 2048 : i32
      %mul3A_267 = vector.broadcast %mul3A_266 : i32 to vector<16xi32>
      %mul3A_268 = arith.muli %get3A_261, %mul3A_267 : vector<16xi32>
      %add3A_269 = arith.addi %mul3A_268, %get3A_265 : vector<16xi32>
      %sub3A_270 = vector.broadcast %mul3A_24 : i32 to vector<16xi32>
      %sub3A_271 = arith.subi %add3A_269, %sub3A_270 : vector<16xi32>
      %ge3A_272 = arith.constant 0 : i32
      %ge3A_273 = vector.broadcast %ge3A_272 : i32 to vector<16xi32>
      %ge3A_274 = arith.cmpi sge, %sub3A_271, %ge3A_273 : vector<16xi32>
      %lt3A_275 = arith.constant 524288 : i32
      %lt3A_276 = vector.broadcast %lt3A_275 : i32 to vector<16xi32>
      %lt3A_277 = arith.cmpi slt, %sub3A_271, %lt3A_276 : vector<16xi32>
      %and3A_278 = arith.andi %ge3A_274, %lt3A_277 : vector<16xi1>
      %select_n3A_279 = arith.select %and3A_278, %sub3A_271, %add3A_18 : vector<16xi1>, vector<16xi32>
      %mul3A_280 = arith.constant 16 : i32
      %mul3A_281 = arith.muli %scan3A_257, %mul3A_280 : i32
      %swap3A_282 = arith.index_cast %mul3A_281 : i32 to index
      %swap3A_283 = tpu.vector_load %arg8[%swap3A_282] {strides = array<i32>} : memref<4096xi32, #tpu.memory_space<vmem>>, vector<16xi32>,
      tpu.vector_store %arg8[%swap3A_282], %select_n3A_279 {strides = array<i32>} : memref<4096xi32, #tpu.memory_space<vmem>>, vector<16xi32>,
      %scan3A_284 = arith.constant 7 : i32
      %scan3A_285 = arith.addi %scan3A_96, %scan3A_284 : i32
      %mul3A_286 = arith.constant 16 : i32
      %mul3A_287 = arith.muli %scan3A_285, %mul3A_286 : i32
      %get3A_288 = arith.index_cast %mul3A_287 : i32 to index
      %get3A_289 = tpu.vector_load %arg6[%get3A_288] {strides = array<i32>} : memref<4096xi32, #tpu.memory_space<vmem>>, vector<16xi32>,
      %mul3A_290 = arith.constant 16 : i32
      %mul3A_291 = arith.muli %scan3A_285, %mul3A_290 : i32
      %get3A_292 = arith.index_cast %mul3A_291 : i32 to index
      %get3A_293 = tpu.vector_load %arg7[%get3A_292] {strides = array<i32>} : memref<4096xi32, #tpu.memory_space<vmem>>, vector<16xi32>,
      %mul3A_294 = arith.constant 2048 : i32
      %mul3A_295 = vector.broadcast %mul3A_294 : i32 to vector<16xi32>
      %mul3A_296 = arith.muli %get3A_289, %mul3A_295 : vector<16xi32>
      %add3A_297 = arith.addi %mul3A_296, %get3A_293 : vector<16xi32>
      %sub3A_298 = vector.broadcast %mul3A_24 : i32 to vector<16xi32>
      %sub3A_299 = arith.subi %add3A_297, %sub3A_298 : vector<16xi32>
      %ge3A_300 = arith.constant 0 : i32
      %ge3A_301 = vector.broadcast %ge3A_300 : i32 to vector<16xi32>
      %ge3A_302 = arith.cmpi sge, %sub3A_299, %ge3A_301 : vector<16xi32>
      %lt3A_303 = arith.constant 524288 : i32
      %lt3A_304 = vector.broadcast %lt3A_303 : i32 to vector<16xi32>
      %lt3A_305 = arith.cmpi slt, %sub3A_299, %lt3A_304 : vector<16xi32>
      %and3A_306 = arith.andi %ge3A_302, %lt3A_305 : vector<16xi1>
      %select_n3A_307 = arith.select %and3A_306, %sub3A_299, %add3A_18 : vector<16xi1>, vector<16xi32>
      %mul3A_308 = arith.constant 16 : i32
      %mul3A_309 = arith.muli %scan3A_285, %mul3A_308 : i32
      %swap3A_310 = arith.index_cast %mul3A_309 : i32 to index
      %swap3A_311 = tpu.vector_load %arg8[%swap3A_310] {strides = array<i32>} : memref<4096xi32, #tpu.memory_space<vmem>>, vector<16xi32>,
      tpu.vector_store %arg8[%swap3A_310], %select_n3A_307 {strides = array<i32>} : memref<4096xi32, #tpu.memory_space<vmem>>, vector<16xi32>,
    }
    %scan3A_30 = arith.constant 256 : i32
    %dma_start3A = arith.constant 0 : i32
    %dma_start3A_31 = tpu.memref_slice %arg10[%dma_start3A] : memref<524416xf32, #tpu.memory_space<vmem_shared>> -> memref<524416xf32, #tpu.memory_space<vmem_shared>>
    tpu.enqueue_indirect_dma source(%arg9 : memref<4096xf32, #tpu.memory_space<vmem>>) target(%dma_start3A_31 : memref<524416xf32, #tpu.memory_space<vmem_shared>>) offsets(%arg8 : memref<4096xi32, #tpu.memory_space<vmem>>) semaphore(%arg11 : memref<!tpu.dma_semaphore, #tpu.memory_space<semaphore_mem>>)
    %dma_wait3A = arith.constant 0 : i32
    %dma_wait3A_32 = tpu.memref_slice %arg10[%dma_wait3A] : memref<524416xf32, #tpu.memory_space<vmem_shared>> -> memref<524416xf32, #tpu.memory_space<vmem_shared>>
    tpu.wait_indirect_dma semaphore(%arg11 : memref<!tpu.dma_semaphore, #tpu.memory_space<semaphore_mem>>) src(%arg9 : memref<4096xf32, #tpu.memory_space<vmem>>) dst(%dma_wait3A_32 : memref<524416xf32, #tpu.memory_space<vmem_shared>>)
    %barrier3A_33 = arith.constant 0 : index
    tpu.barrier barrier_id(%barrier3A_33)
    %add3A_34 = arith.addi %mul3A_24, %multiple_of3A : i32
    %multiple_of3A_35 = tpu.assume_multiple %add3A_34, 8 : i32
    "tpu.region"() ({
      %run_scoped3A = tpu.sem_alloc : memref<!tpu.dma_semaphore, #tpu.memory_space<semaphore_mem>>
      %dma_start3A_96 = tpu.memref_slice %arg4[%multiple_of3A_35] : memref<4194304xf32, #tpu.memory_space<hbm>> -> memref<32768xf32, #tpu.memory_space<hbm>>
      %dma_start3A_97 = tpu.memref_slice %arg10[%multiple_of3A] : memref<524416xf32, #tpu.memory_space<vmem_shared>> -> memref<32768xf32, #tpu.memory_space<vmem_shared>>
      tpu.enqueue_dma source(%dma_start3A_97 : memref<32768xf32, #tpu.memory_space<vmem_shared>>) target(%dma_start3A_96 : memref<32768xf32, #tpu.memory_space<hbm>>) target_semaphore(%run_scoped3A : memref<!tpu.dma_semaphore, #tpu.memory_space<semaphore_mem>>)
      %dma_wait3A_98 = tpu.memref_slice %arg4[%multiple_of3A_35] : memref<4194304xf32, #tpu.memory_space<hbm>> -> memref<32768xf32, #tpu.memory_space<hbm>>
      %dma_wait3A_99 = tpu.memref_slice %arg10[%multiple_of3A] : memref<524416xf32, #tpu.memory_space<vmem_shared>> -> memref<32768xf32, #tpu.memory_space<vmem_shared>>
      tpu.wait_dma2 semaphore(%run_scoped3A : memref<!tpu.dma_semaphore, #tpu.memory_space<semaphore_mem>>) src(%dma_wait3A_99 : memref<32768xf32, #tpu.memory_space<vmem_shared>>) dst(%dma_wait3A_98 : memref<32768xf32, #tpu.memory_space<hbm>>)
      tpu.yield
    }) : () -> ()
    %mul3A_36 = arith.constant 4 : i32
    %mul3A_37 = arith.muli %arg0, %mul3A_36 : i32
    %add3A_38 = arith.constant 1 : i32
    %add3A_39 = arith.addi %mul3A_37, %add3A_38 : i32
    %mul3A_40 = arith.constant 524288 : i32
    %mul3A_41 = arith.muli %add3A_39, %mul3A_40 : i32
    "tpu.region"() ({
      %run_scoped3A = tpu.sem_alloc : memref<!tpu.dma_semaphore, #tpu.memory_space<semaphore_mem>>
      %dma_start3A_96 = tpu.memref_slice %arg10[%multiple_of3A] : memref<524416xf32, #tpu.memory_space<vmem_shared>> -> memref<32768xf32, #tpu.memory_space<vmem_shared>>
      %dma_start3A_97 = tpu.memref_slice %arg10[%multiple_of3A] : memref<524416xf32, #tpu.memory_space<vmem_shared>> -> memref<32768xf32, #tpu.memory_space<vmem_shared>>
      tpu.enqueue_dma source(%arg5 : memref<32768xf32, #tpu.memory_space<vmem>>) target(%dma_start3A_97 : memref<32768xf32, #tpu.memory_space<vmem_shared>>) target_semaphore(%run_scoped3A : memref<!tpu.dma_semaphore, #tpu.memory_space<semaphore_mem>>)
      %dma_wait3A_98 = tpu.memref_slice %arg10[%multiple_of3A] : memref<524416xf32, #tpu.memory_space<vmem_shared>> -> memref<32768xf32, #tpu.memory_space<vmem_shared>>
      %dma_wait3A_99 = tpu.memref_slice %arg10[%multiple_of3A] : memref<524416xf32, #tpu.memory_space<vmem_shared>> -> memref<32768xf32, #tpu.memory_space<vmem_shared>>
      tpu.wait_dma2 semaphore(%run_scoped3A : memref<!tpu.dma_semaphore, #tpu.memory_space<semaphore_mem>>) src(%arg5 : memref<32768xf32, #tpu.memory_space<vmem>>) dst(%dma_wait3A_99 : memref<32768xf32, #tpu.memory_space<vmem_shared>>)
      tpu.yield
    }) : () -> ()
    %barrier3A_42 = arith.constant 0 : index
    tpu.barrier barrier_id(%barrier3A_42)
    %scan3A_43 = arith.constant 0 : i32
    %scan3A_44 = arith.constant 0 : i32
    %scan3A_45 = arith.constant 256 : i32
    %scan3A_46 = arith.addi %scan3A_44, %scan3A_45 : i32
    %scan3A_47 = arith.constant 8 : i32
    scf.for %scan3A_96 = %scan3A_44 to %scan3A_46 step %scan3A_47  : i32 {
      %mul3A_97 = arith.constant 16 : i32
      %mul3A_98 = arith.muli %scan3A_96, %mul3A_97 : i32
      %get3A = arith.index_cast %mul3A_98 : i32 to index
      %get3A_99 = tpu.vector_load %arg6[%get3A] {strides = array<i32>} : memref<4096xi32, #tpu.memory_space<vmem>>, vector<16xi32>,
      %mul3A_100 = arith.constant 16 : i32
      %mul3A_101 = arith.muli %scan3A_96, %mul3A_100 : i32
      %get3A_102 = arith.index_cast %mul3A_101 : i32 to index
      %get3A_103 = tpu.vector_load %arg7[%get3A_102] {strides = array<i32>} : memref<4096xi32, #tpu.memory_space<vmem>>, vector<16xi32>,
      %mul3A_104 = arith.constant 2048 : i32
      %mul3A_105 = vector.broadcast %mul3A_104 : i32 to vector<16xi32>
      %mul3A_106 = arith.muli %get3A_99, %mul3A_105 : vector<16xi32>
      %add3A_107 = arith.addi %mul3A_106, %get3A_103 : vector<16xi32>
      %sub3A = vector.broadcast %mul3A_41 : i32 to vector<16xi32>
      %sub3A_108 = arith.subi %add3A_107, %sub3A : vector<16xi32>
      %ge3A = arith.constant 0 : i32
      %ge3A_109 = vector.broadcast %ge3A : i32 to vector<16xi32>
      %ge3A_110 = arith.cmpi sge, %sub3A_108, %ge3A_109 : vector<16xi32>
      %lt3A = arith.constant 524288 : i32
      %lt3A_111 = vector.broadcast %lt3A : i32 to vector<16xi32>
      %lt3A_112 = arith.cmpi slt, %sub3A_108, %lt3A_111 : vector<16xi32>
      %and3A = arith.andi %ge3A_110, %lt3A_112 : vector<16xi1>
      %select_n3A = arith.select %and3A, %sub3A_108, %add3A_18 : vector<16xi1>, vector<16xi32>
      %mul3A_113 = arith.constant 16 : i32
      %mul3A_114 = arith.muli %scan3A_96, %mul3A_113 : i32
      %swap3A = arith.index_cast %mul3A_114 : i32 to index
      %swap3A_115 = tpu.vector_load %arg8[%swap3A] {strides = array<i32>} : memref<4096xi32, #tpu.memory_space<vmem>>, vector<16xi32>,
      tpu.vector_store %arg8[%swap3A], %select_n3A {strides = array<i32>} : memref<4096xi32, #tpu.memory_space<vmem>>, vector<16xi32>,
      %scan3A_116 = arith.constant 1 : i32
      %scan3A_117 = arith.addi %scan3A_96, %scan3A_116 : i32
      %mul3A_118 = arith.constant 16 : i32
      %mul3A_119 = arith.muli %scan3A_117, %mul3A_118 : i32
      %get3A_120 = arith.index_cast %mul3A_119 : i32 to index
      %get3A_121 = tpu.vector_load %arg6[%get3A_120] {strides = array<i32>} : memref<4096xi32, #tpu.memory_space<vmem>>, vector<16xi32>,
      %mul3A_122 = arith.constant 16 : i32
      %mul3A_123 = arith.muli %scan3A_117, %mul3A_122 : i32
      %get3A_124 = arith.index_cast %mul3A_123 : i32 to index
      %get3A_125 = tpu.vector_load %arg7[%get3A_124] {strides = array<i32>} : memref<4096xi32, #tpu.memory_space<vmem>>, vector<16xi32>,
      %mul3A_126 = arith.constant 2048 : i32
      %mul3A_127 = vector.broadcast %mul3A_126 : i32 to vector<16xi32>
      %mul3A_128 = arith.muli %get3A_121, %mul3A_127 : vector<16xi32>
      %add3A_129 = arith.addi %mul3A_128, %get3A_125 : vector<16xi32>
      %sub3A_130 = vector.broadcast %mul3A_41 : i32 to vector<16xi32>
      %sub3A_131 = arith.subi %add3A_129, %sub3A_130 : vector<16xi32>
      %ge3A_132 = arith.constant 0 : i32
      %ge3A_133 = vector.broadcast %ge3A_132 : i32 to vector<16xi32>
      %ge3A_134 = arith.cmpi sge, %sub3A_131, %ge3A_133 : vector<16xi32>
      %lt3A_135 = arith.constant 524288 : i32
      %lt3A_136 = vector.broadcast %lt3A_135 : i32 to vector<16xi32>
      %lt3A_137 = arith.cmpi slt, %sub3A_131, %lt3A_136 : vector<16xi32>
      %and3A_138 = arith.andi %ge3A_134, %lt3A_137 : vector<16xi1>
      %select_n3A_139 = arith.select %and3A_138, %sub3A_131, %add3A_18 : vector<16xi1>, vector<16xi32>
      %mul3A_140 = arith.constant 16 : i32
      %mul3A_141 = arith.muli %scan3A_117, %mul3A_140 : i32
      %swap3A_142 = arith.index_cast %mul3A_141 : i32 to index
      %swap3A_143 = tpu.vector_load %arg8[%swap3A_142] {strides = array<i32>} : memref<4096xi32, #tpu.memory_space<vmem>>, vector<16xi32>,
      tpu.vector_store %arg8[%swap3A_142], %select_n3A_139 {strides = array<i32>} : memref<4096xi32, #tpu.memory_space<vmem>>, vector<16xi32>,
      %scan3A_144 = arith.constant 2 : i32
      %scan3A_145 = arith.addi %scan3A_96, %scan3A_144 : i32
      %mul3A_146 = arith.constant 16 : i32
      %mul3A_147 = arith.muli %scan3A_145, %mul3A_146 : i32
      %get3A_148 = arith.index_cast %mul3A_147 : i32 to index
      %get3A_149 = tpu.vector_load %arg6[%get3A_148] {strides = array<i32>} : memref<4096xi32, #tpu.memory_space<vmem>>, vector<16xi32>,
      %mul3A_150 = arith.constant 16 : i32
      %mul3A_151 = arith.muli %scan3A_145, %mul3A_150 : i32
      %get3A_152 = arith.index_cast %mul3A_151 : i32 to index
      %get3A_153 = tpu.vector_load %arg7[%get3A_152] {strides = array<i32>} : memref<4096xi32, #tpu.memory_space<vmem>>, vector<16xi32>,
      %mul3A_154 = arith.constant 2048 : i32
      %mul3A_155 = vector.broadcast %mul3A_154 : i32 to vector<16xi32>
      %mul3A_156 = arith.muli %get3A_149, %mul3A_155 : vector<16xi32>
      %add3A_157 = arith.addi %mul3A_156, %get3A_153 : vector<16xi32>
      %sub3A_158 = vector.broadcast %mul3A_41 : i32 to vector<16xi32>
      %sub3A_159 = arith.subi %add3A_157, %sub3A_158 : vector<16xi32>
      %ge3A_160 = arith.constant 0 : i32
      %ge3A_161 = vector.broadcast %ge3A_160 : i32 to vector<16xi32>
      %ge3A_162 = arith.cmpi sge, %sub3A_159, %ge3A_161 : vector<16xi32>
      %lt3A_163 = arith.constant 524288 : i32
      %lt3A_164 = vector.broadcast %lt3A_163 : i32 to vector<16xi32>
      %lt3A_165 = arith.cmpi slt, %sub3A_159, %lt3A_164 : vector<16xi32>
      %and3A_166 = arith.andi %ge3A_162, %lt3A_165 : vector<16xi1>
      %select_n3A_167 = arith.select %and3A_166, %sub3A_159, %add3A_18 : vector<16xi1>, vector<16xi32>
      %mul3A_168 = arith.constant 16 : i32
      %mul3A_169 = arith.muli %scan3A_145, %mul3A_168 : i32
      %swap3A_170 = arith.index_cast %mul3A_169 : i32 to index
      %swap3A_171 = tpu.vector_load %arg8[%swap3A_170] {strides = array<i32>} : memref<4096xi32, #tpu.memory_space<vmem>>, vector<16xi32>,
      tpu.vector_store %arg8[%swap3A_170], %select_n3A_167 {strides = array<i32>} : memref<4096xi32, #tpu.memory_space<vmem>>, vector<16xi32>,
      %scan3A_172 = arith.constant 3 : i32
      %scan3A_173 = arith.addi %scan3A_96, %scan3A_172 : i32
      %mul3A_174 = arith.constant 16 : i32
      %mul3A_175 = arith.muli %scan3A_173, %mul3A_174 : i32
      %get3A_176 = arith.index_cast %mul3A_175 : i32 to index
      %get3A_177 = tpu.vector_load %arg6[%get3A_176] {strides = array<i32>} : memref<4096xi32, #tpu.memory_space<vmem>>, vector<16xi32>,
      %mul3A_178 = arith.constant 16 : i32
      %mul3A_179 = arith.muli %scan3A_173, %mul3A_178 : i32
      %get3A_180 = arith.index_cast %mul3A_179 : i32 to index
      %get3A_181 = tpu.vector_load %arg7[%get3A_180] {strides = array<i32>} : memref<4096xi32, #tpu.memory_space<vmem>>, vector<16xi32>,
      %mul3A_182 = arith.constant 2048 : i32
      %mul3A_183 = vector.broadcast %mul3A_182 : i32 to vector<16xi32>
      %mul3A_184 = arith.muli %get3A_177, %mul3A_183 : vector<16xi32>
      %add3A_185 = arith.addi %mul3A_184, %get3A_181 : vector<16xi32>
      %sub3A_186 = vector.broadcast %mul3A_41 : i32 to vector<16xi32>
      %sub3A_187 = arith.subi %add3A_185, %sub3A_186 : vector<16xi32>
      %ge3A_188 = arith.constant 0 : i32
      %ge3A_189 = vector.broadcast %ge3A_188 : i32 to vector<16xi32>
      %ge3A_190 = arith.cmpi sge, %sub3A_187, %ge3A_189 : vector<16xi32>
      %lt3A_191 = arith.constant 524288 : i32
      %lt3A_192 = vector.broadcast %lt3A_191 : i32 to vector<16xi32>
      %lt3A_193 = arith.cmpi slt, %sub3A_187, %lt3A_192 : vector<16xi32>
      %and3A_194 = arith.andi %ge3A_190, %lt3A_193 : vector<16xi1>
      %select_n3A_195 = arith.select %and3A_194, %sub3A_187, %add3A_18 : vector<16xi1>, vector<16xi32>
      %mul3A_196 = arith.constant 16 : i32
      %mul3A_197 = arith.muli %scan3A_173, %mul3A_196 : i32
      %swap3A_198 = arith.index_cast %mul3A_197 : i32 to index
      %swap3A_199 = tpu.vector_load %arg8[%swap3A_198] {strides = array<i32>} : memref<4096xi32, #tpu.memory_space<vmem>>, vector<16xi32>,
      tpu.vector_store %arg8[%swap3A_198], %select_n3A_195 {strides = array<i32>} : memref<4096xi32, #tpu.memory_space<vmem>>, vector<16xi32>,
      %scan3A_200 = arith.constant 4 : i32
      %scan3A_201 = arith.addi %scan3A_96, %scan3A_200 : i32
      %mul3A_202 = arith.constant 16 : i32
      %mul3A_203 = arith.muli %scan3A_201, %mul3A_202 : i32
      %get3A_204 = arith.index_cast %mul3A_203 : i32 to index
      %get3A_205 = tpu.vector_load %arg6[%get3A_204] {strides = array<i32>} : memref<4096xi32, #tpu.memory_space<vmem>>, vector<16xi32>,
      %mul3A_206 = arith.constant 16 : i32
      %mul3A_207 = arith.muli %scan3A_201, %mul3A_206 : i32
      %get3A_208 = arith.index_cast %mul3A_207 : i32 to index
      %get3A_209 = tpu.vector_load %arg7[%get3A_208] {strides = array<i32>} : memref<4096xi32, #tpu.memory_space<vmem>>, vector<16xi32>,
      %mul3A_210 = arith.constant 2048 : i32
      %mul3A_211 = vector.broadcast %mul3A_210 : i32 to vector<16xi32>
      %mul3A_212 = arith.muli %get3A_205, %mul3A_211 : vector<16xi32>
      %add3A_213 = arith.addi %mul3A_212, %get3A_209 : vector<16xi32>
      %sub3A_214 = vector.broadcast %mul3A_41 : i32 to vector<16xi32>
      %sub3A_215 = arith.subi %add3A_213, %sub3A_214 : vector<16xi32>
      %ge3A_216 = arith.constant 0 : i32
      %ge3A_217 = vector.broadcast %ge3A_216 : i32 to vector<16xi32>
      %ge3A_218 = arith.cmpi sge, %sub3A_215, %ge3A_217 : vector<16xi32>
      %lt3A_219 = arith.constant 524288 : i32
      %lt3A_220 = vector.broadcast %lt3A_219 : i32 to vector<16xi32>
      %lt3A_221 = arith.cmpi slt, %sub3A_215, %lt3A_220 : vector<16xi32>
      %and3A_222 = arith.andi %ge3A_218, %lt3A_221 : vector<16xi1>
      %select_n3A_223 = arith.select %and3A_222, %sub3A_215, %add3A_18 : vector<16xi1>, vector<16xi32>
      %mul3A_224 = arith.constant 16 : i32
      %mul3A_225 = arith.muli %scan3A_201, %mul3A_224 : i32
      %swap3A_226 = arith.index_cast %mul3A_225 : i32 to index
      %swap3A_227 = tpu.vector_load %arg8[%swap3A_226] {strides = array<i32>} : memref<4096xi32, #tpu.memory_space<vmem>>, vector<16xi32>,
      tpu.vector_store %arg8[%swap3A_226], %select_n3A_223 {strides = array<i32>} : memref<4096xi32, #tpu.memory_space<vmem>>, vector<16xi32>,
      %scan3A_228 = arith.constant 5 : i32
      %scan3A_229 = arith.addi %scan3A_96, %scan3A_228 : i32
      %mul3A_230 = arith.constant 16 : i32
      %mul3A_231 = arith.muli %scan3A_229, %mul3A_230 : i32
      %get3A_232 = arith.index_cast %mul3A_231 : i32 to index
      %get3A_233 = tpu.vector_load %arg6[%get3A_232] {strides = array<i32>} : memref<4096xi32, #tpu.memory_space<vmem>>, vector<16xi32>,
      %mul3A_234 = arith.constant 16 : i32
      %mul3A_235 = arith.muli %scan3A_229, %mul3A_234 : i32
      %get3A_236 = arith.index_cast %mul3A_235 : i32 to index
      %get3A_237 = tpu.vector_load %arg7[%get3A_236] {strides = array<i32>} : memref<4096xi32, #tpu.memory_space<vmem>>, vector<16xi32>,
      %mul3A_238 = arith.constant 2048 : i32
      %mul3A_239 = vector.broadcast %mul3A_238 : i32 to vector<16xi32>
      %mul3A_240 = arith.muli %get3A_233, %mul3A_239 : vector<16xi32>
      %add3A_241 = arith.addi %mul3A_240, %get3A_237 : vector<16xi32>
      %sub3A_242 = vector.broadcast %mul3A_41 : i32 to vector<16xi32>
      %sub3A_243 = arith.subi %add3A_241, %sub3A_242 : vector<16xi32>
      %ge3A_244 = arith.constant 0 : i32
      %ge3A_245 = vector.broadcast %ge3A_244 : i32 to vector<16xi32>
      %ge3A_246 = arith.cmpi sge, %sub3A_243, %ge3A_245 : vector<16xi32>
      %lt3A_247 = arith.constant 524288 : i32
      %lt3A_248 = vector.broadcast %lt3A_247 : i32 to vector<16xi32>
      %lt3A_249 = arith.cmpi slt, %sub3A_243, %lt3A_248 : vector<16xi32>
      %and3A_250 = arith.andi %ge3A_246, %lt3A_249 : vector<16xi1>
      %select_n3A_251 = arith.select %and3A_250, %sub3A_243, %add3A_18 : vector<16xi1>, vector<16xi32>
      %mul3A_252 = arith.constant 16 : i32
      %mul3A_253 = arith.muli %scan3A_229, %mul3A_252 : i32
      %swap3A_254 = arith.index_cast %mul3A_253 : i32 to index
      %swap3A_255 = tpu.vector_load %arg8[%swap3A_254] {strides = array<i32>} : memref<4096xi32, #tpu.memory_space<vmem>>, vector<16xi32>,
      tpu.vector_store %arg8[%swap3A_254], %select_n3A_251 {strides = array<i32>} : memref<4096xi32, #tpu.memory_space<vmem>>, vector<16xi32>,
      %scan3A_256 = arith.constant 6 : i32
      %scan3A_257 = arith.addi %scan3A_96, %scan3A_256 : i32
      %mul3A_258 = arith.constant 16 : i32
      %mul3A_259 = arith.muli %scan3A_257, %mul3A_258 : i32
      %get3A_260 = arith.index_cast %mul3A_259 : i32 to index
      %get3A_261 = tpu.vector_load %arg6[%get3A_260] {strides = array<i32>} : memref<4096xi32, #tpu.memory_space<vmem>>, vector<16xi32>,
      %mul3A_262 = arith.constant 16 : i32
      %mul3A_263 = arith.muli %scan3A_257, %mul3A_262 : i32
      %get3A_264 = arith.index_cast %mul3A_263 : i32 to index
      %get3A_265 = tpu.vector_load %arg7[%get3A_264] {strides = array<i32>} : memref<4096xi32, #tpu.memory_space<vmem>>, vector<16xi32>,
      %mul3A_266 = arith.constant 2048 : i32
      %mul3A_267 = vector.broadcast %mul3A_266 : i32 to vector<16xi32>
      %mul3A_268 = arith.muli %get3A_261, %mul3A_267 : vector<16xi32>
      %add3A_269 = arith.addi %mul3A_268, %get3A_265 : vector<16xi32>
      %sub3A_270 = vector.broadcast %mul3A_41 : i32 to vector<16xi32>
      %sub3A_271 = arith.subi %add3A_269, %sub3A_270 : vector<16xi32>
      %ge3A_272 = arith.constant 0 : i32
      %ge3A_273 = vector.broadcast %ge3A_272 : i32 to vector<16xi32>
      %ge3A_274 = arith.cmpi sge, %sub3A_271, %ge3A_273 : vector<16xi32>
      %lt3A_275 = arith.constant 524288 : i32
      %lt3A_276 = vector.broadcast %lt3A_275 : i32 to vector<16xi32>
      %lt3A_277 = arith.cmpi slt, %sub3A_271, %lt3A_276 : vector<16xi32>
      %and3A_278 = arith.andi %ge3A_274, %lt3A_277 : vector<16xi1>
      %select_n3A_279 = arith.select %and3A_278, %sub3A_271, %add3A_18 : vector<16xi1>, vector<16xi32>
      %mul3A_280 = arith.constant 16 : i32
      %mul3A_281 = arith.muli %scan3A_257, %mul3A_280 : i32
      %swap3A_282 = arith.index_cast %mul3A_281 : i32 to index
      %swap3A_283 = tpu.vector_load %arg8[%swap3A_282] {strides = array<i32>} : memref<4096xi32, #tpu.memory_space<vmem>>, vector<16xi32>,
      tpu.vector_store %arg8[%swap3A_282], %select_n3A_279 {strides = array<i32>} : memref<4096xi32, #tpu.memory_space<vmem>>, vector<16xi32>,
      %scan3A_284 = arith.constant 7 : i32
      %scan3A_285 = arith.addi %scan3A_96, %scan3A_284 : i32
      %mul3A_286 = arith.constant 16 : i32
      %mul3A_287 = arith.muli %scan3A_285, %mul3A_286 : i32
      %get3A_288 = arith.index_cast %mul3A_287 : i32 to index
      %get3A_289 = tpu.vector_load %arg6[%get3A_288] {strides = array<i32>} : memref<4096xi32, #tpu.memory_space<vmem>>, vector<16xi32>,
      %mul3A_290 = arith.constant 16 : i32
      %mul3A_291 = arith.muli %scan3A_285, %mul3A_290 : i32
      %get3A_292 = arith.index_cast %mul3A_291 : i32 to index
      %get3A_293 = tpu.vector_load %arg7[%get3A_292] {strides = array<i32>} : memref<4096xi32, #tpu.memory_space<vmem>>, vector<16xi32>,
      %mul3A_294 = arith.constant 2048 : i32
      %mul3A_295 = vector.broadcast %mul3A_294 : i32 to vector<16xi32>
      %mul3A_296 = arith.muli %get3A_289, %mul3A_295 : vector<16xi32>
      %add3A_297 = arith.addi %mul3A_296, %get3A_293 : vector<16xi32>
      %sub3A_298 = vector.broadcast %mul3A_41 : i32 to vector<16xi32>
      %sub3A_299 = arith.subi %add3A_297, %sub3A_298 : vector<16xi32>
      %ge3A_300 = arith.constant 0 : i32
      %ge3A_301 = vector.broadcast %ge3A_300 : i32 to vector<16xi32>
      %ge3A_302 = arith.cmpi sge, %sub3A_299, %ge3A_301 : vector<16xi32>
      %lt3A_303 = arith.constant 524288 : i32
      %lt3A_304 = vector.broadcast %lt3A_303 : i32 to vector<16xi32>
      %lt3A_305 = arith.cmpi slt, %sub3A_299, %lt3A_304 : vector<16xi32>
      %and3A_306 = arith.andi %ge3A_302, %lt3A_305 : vector<16xi1>
      %select_n3A_307 = arith.select %and3A_306, %sub3A_299, %add3A_18 : vector<16xi1>, vector<16xi32>
      %mul3A_308 = arith.constant 16 : i32
      %mul3A_309 = arith.muli %scan3A_285, %mul3A_308 : i32
      %swap3A_310 = arith.index_cast %mul3A_309 : i32 to index
      %swap3A_311 = tpu.vector_load %arg8[%swap3A_310] {strides = array<i32>} : memref<4096xi32, #tpu.memory_space<vmem>>, vector<16xi32>,
      tpu.vector_store %arg8[%swap3A_310], %select_n3A_307 {strides = array<i32>} : memref<4096xi32, #tpu.memory_space<vmem>>, vector<16xi32>,
    }
    %scan3A_48 = arith.constant 256 : i32
    %dma_start3A_49 = arith.constant 0 : i32
    %dma_start3A_50 = tpu.memref_slice %arg10[%dma_start3A_49] : memref<524416xf32, #tpu.memory_space<vmem_shared>> -> memref<524416xf32, #tpu.memory_space<vmem_shared>>
    tpu.enqueue_indirect_dma source(%arg9 : memref<4096xf32, #tpu.memory_space<vmem>>) target(%dma_start3A_50 : memref<524416xf32, #tpu.memory_space<vmem_shared>>) offsets(%arg8 : memref<4096xi32, #tpu.memory_space<vmem>>) semaphore(%arg11 : memref<!tpu.dma_semaphore, #tpu.memory_space<semaphore_mem>>)
    %dma_wait3A_51 = arith.constant 0 : i32
    %dma_wait3A_52 = tpu.memref_slice %arg10[%dma_wait3A_51] : memref<524416xf32, #tpu.memory_space<vmem_shared>> -> memref<524416xf32, #tpu.memory_space<vmem_shared>>
    tpu.wait_indirect_dma semaphore(%arg11 : memref<!tpu.dma_semaphore, #tpu.memory_space<semaphore_mem>>) src(%arg9 : memref<4096xf32, #tpu.memory_space<vmem>>) dst(%dma_wait3A_52 : memref<524416xf32, #tpu.memory_space<vmem_shared>>)
    %barrier3A_53 = arith.constant 0 : index
    tpu.barrier barrier_id(%barrier3A_53)
    %add3A_54 = arith.addi %mul3A_41, %multiple_of3A : i32
    %multiple_of3A_55 = tpu.assume_multiple %add3A_54, 8 : i32
    "tpu.region"() ({
      %run_scoped3A = tpu.sem_alloc : memref<!tpu.dma_semaphore, #tpu.memory_space<semaphore_mem>>
      %dma_start3A_96 = tpu.memref_slice %arg4[%multiple_of3A_55] : memref<4194304xf32, #tpu.memory_space<hbm>> -> memref<32768xf32, #tpu.memory_space<hbm>>
      %dma_start3A_97 = tpu.memref_slice %arg10[%multiple_of3A] : memref<524416xf32, #tpu.memory_space<vmem_shared>> -> memref<32768xf32, #tpu.memory_space<vmem_shared>>
      tpu.enqueue_dma source(%dma_start3A_97 : memref<32768xf32, #tpu.memory_space<vmem_shared>>) target(%dma_start3A_96 : memref<32768xf32, #tpu.memory_space<hbm>>) target_semaphore(%run_scoped3A : memref<!tpu.dma_semaphore, #tpu.memory_space<semaphore_mem>>)
      %dma_wait3A_98 = tpu.memref_slice %arg4[%multiple_of3A_55] : memref<4194304xf32, #tpu.memory_space<hbm>> -> memref<32768xf32, #tpu.memory_space<hbm>>
      %dma_wait3A_99 = tpu.memref_slice %arg10[%multiple_of3A] : memref<524416xf32, #tpu.memory_space<vmem_shared>> -> memref<32768xf32, #tpu.memory_space<vmem_shared>>
      tpu.wait_dma2 semaphore(%run_scoped3A : memref<!tpu.dma_semaphore, #tpu.memory_space<semaphore_mem>>) src(%dma_wait3A_99 : memref<32768xf32, #tpu.memory_space<vmem_shared>>) dst(%dma_wait3A_98 : memref<32768xf32, #tpu.memory_space<hbm>>)
      tpu.yield
    }) : () -> ()
    %mul3A_56 = arith.constant 4 : i32
    %mul3A_57 = arith.muli %arg0, %mul3A_56 : i32
    %add3A_58 = arith.constant 2 : i32
    %add3A_59 = arith.addi %mul3A_57, %add3A_58 : i32
    %mul3A_60 = arith.constant 524288 : i32
    %mul3A_61 = arith.muli %add3A_59, %mul3A_60 : i32
    "tpu.region"() ({
      %run_scoped3A = tpu.sem_alloc : memref<!tpu.dma_semaphore, #tpu.memory_space<semaphore_mem>>
      %dma_start3A_96 = tpu.memref_slice %arg10[%multiple_of3A] : memref<524416xf32, #tpu.memory_space<vmem_shared>> -> memref<32768xf32, #tpu.memory_space<vmem_shared>>
      %dma_start3A_97 = tpu.memref_slice %arg10[%multiple_of3A] : memref<524416xf32, #tpu.memory_space<vmem_shared>> -> memref<32768xf32, #tpu.memory_space<vmem_shared>>
      tpu.enqueue_dma source(%arg5 : memref<32768xf32, #tpu.memory_space<vmem>>) target(%dma_start3A_97 : memref<32768xf32, #tpu.memory_space<vmem_shared>>) target_semaphore(%run_scoped3A : memref<!tpu.dma_semaphore, #tpu.memory_space<semaphore_mem>>)
      %dma_wait3A_98 = tpu.memref_slice %arg10[%multiple_of3A] : memref<524416xf32, #tpu.memory_space<vmem_shared>> -> memref<32768xf32, #tpu.memory_space<vmem_shared>>
      %dma_wait3A_99 = tpu.memref_slice %arg10[%multiple_of3A] : memref<524416xf32, #tpu.memory_space<vmem_shared>> -> memref<32768xf32, #tpu.memory_space<vmem_shared>>
      tpu.wait_dma2 semaphore(%run_scoped3A : memref<!tpu.dma_semaphore, #tpu.memory_space<semaphore_mem>>) src(%arg5 : memref<32768xf32, #tpu.memory_space<vmem>>) dst(%dma_wait3A_99 : memref<32768xf32, #tpu.memory_space<vmem_shared>>)
      tpu.yield
    }) : () -> ()
    %barrier3A_62 = arith.constant 0 : index
    tpu.barrier barrier_id(%barrier3A_62)
    %scan3A_63 = arith.constant 0 : i32
    %scan3A_64 = arith.constant 0 : i32
    %scan3A_65 = arith.constant 256 : i32
    %scan3A_66 = arith.addi %scan3A_64, %scan3A_65 : i32
    %scan3A_67 = arith.constant 8 : i32
    scf.for %scan3A_96 = %scan3A_64 to %scan3A_66 step %scan3A_67  : i32 {
      %mul3A_97 = arith.constant 16 : i32
      %mul3A_98 = arith.muli %scan3A_96, %mul3A_97 : i32
      %get3A = arith.index_cast %mul3A_98 : i32 to index
      %get3A_99 = tpu.vector_load %arg6[%get3A] {strides = array<i32>} : memref<4096xi32, #tpu.memory_space<vmem>>, vector<16xi32>,
      %mul3A_100 = arith.constant 16 : i32
      %mul3A_101 = arith.muli %scan3A_96, %mul3A_100 : i32
      %get3A_102 = arith.index_cast %mul3A_101 : i32 to index
      %get3A_103 = tpu.vector_load %arg7[%get3A_102] {strides = array<i32>} : memref<4096xi32, #tpu.memory_space<vmem>>, vector<16xi32>,
      %mul3A_104 = arith.constant 2048 : i32
      %mul3A_105 = vector.broadcast %mul3A_104 : i32 to vector<16xi32>
      %mul3A_106 = arith.muli %get3A_99, %mul3A_105 : vector<16xi32>
      %add3A_107 = arith.addi %mul3A_106, %get3A_103 : vector<16xi32>
      %sub3A = vector.broadcast %mul3A_61 : i32 to vector<16xi32>
      %sub3A_108 = arith.subi %add3A_107, %sub3A : vector<16xi32>
      %ge3A = arith.constant 0 : i32
      %ge3A_109 = vector.broadcast %ge3A : i32 to vector<16xi32>
      %ge3A_110 = arith.cmpi sge, %sub3A_108, %ge3A_109 : vector<16xi32>
      %lt3A = arith.constant 524288 : i32
      %lt3A_111 = vector.broadcast %lt3A : i32 to vector<16xi32>
      %lt3A_112 = arith.cmpi slt, %sub3A_108, %lt3A_111 : vector<16xi32>
      %and3A = arith.andi %ge3A_110, %lt3A_112 : vector<16xi1>
      %select_n3A = arith.select %and3A, %sub3A_108, %add3A_18 : vector<16xi1>, vector<16xi32>
      %mul3A_113 = arith.constant 16 : i32
      %mul3A_114 = arith.muli %scan3A_96, %mul3A_113 : i32
      %swap3A = arith.index_cast %mul3A_114 : i32 to index
      %swap3A_115 = tpu.vector_load %arg8[%swap3A] {strides = array<i32>} : memref<4096xi32, #tpu.memory_space<vmem>>, vector<16xi32>,
      tpu.vector_store %arg8[%swap3A], %select_n3A {strides = array<i32>} : memref<4096xi32, #tpu.memory_space<vmem>>, vector<16xi32>,
      %scan3A_116 = arith.constant 1 : i32
      %scan3A_117 = arith.addi %scan3A_96, %scan3A_116 : i32
      %mul3A_118 = arith.constant 16 : i32
      %mul3A_119 = arith.muli %scan3A_117, %mul3A_118 : i32
      %get3A_120 = arith.index_cast %mul3A_119 : i32 to index
      %get3A_121 = tpu.vector_load %arg6[%get3A_120] {strides = array<i32>} : memref<4096xi32, #tpu.memory_space<vmem>>, vector<16xi32>,
      %mul3A_122 = arith.constant 16 : i32
      %mul3A_123 = arith.muli %scan3A_117, %mul3A_122 : i32
      %get3A_124 = arith.index_cast %mul3A_123 : i32 to index
      %get3A_125 = tpu.vector_load %arg7[%get3A_124] {strides = array<i32>} : memref<4096xi32, #tpu.memory_space<vmem>>, vector<16xi32>,
      %mul3A_126 = arith.constant 2048 : i32
      %mul3A_127 = vector.broadcast %mul3A_126 : i32 to vector<16xi32>
      %mul3A_128 = arith.muli %get3A_121, %mul3A_127 : vector<16xi32>
      %add3A_129 = arith.addi %mul3A_128, %get3A_125 : vector<16xi32>
      %sub3A_130 = vector.broadcast %mul3A_61 : i32 to vector<16xi32>
      %sub3A_131 = arith.subi %add3A_129, %sub3A_130 : vector<16xi32>
      %ge3A_132 = arith.constant 0 : i32
      %ge3A_133 = vector.broadcast %ge3A_132 : i32 to vector<16xi32>
      %ge3A_134 = arith.cmpi sge, %sub3A_131, %ge3A_133 : vector<16xi32>
      %lt3A_135 = arith.constant 524288 : i32
      %lt3A_136 = vector.broadcast %lt3A_135 : i32 to vector<16xi32>
      %lt3A_137 = arith.cmpi slt, %sub3A_131, %lt3A_136 : vector<16xi32>
      %and3A_138 = arith.andi %ge3A_134, %lt3A_137 : vector<16xi1>
      %select_n3A_139 = arith.select %and3A_138, %sub3A_131, %add3A_18 : vector<16xi1>, vector<16xi32>
      %mul3A_140 = arith.constant 16 : i32
      %mul3A_141 = arith.muli %scan3A_117, %mul3A_140 : i32
      %swap3A_142 = arith.index_cast %mul3A_141 : i32 to index
      %swap3A_143 = tpu.vector_load %arg8[%swap3A_142] {strides = array<i32>} : memref<4096xi32, #tpu.memory_space<vmem>>, vector<16xi32>,
      tpu.vector_store %arg8[%swap3A_142], %select_n3A_139 {strides = array<i32>} : memref<4096xi32, #tpu.memory_space<vmem>>, vector<16xi32>,
      %scan3A_144 = arith.constant 2 : i32
      %scan3A_145 = arith.addi %scan3A_96, %scan3A_144 : i32
      %mul3A_146 = arith.constant 16 : i32
      %mul3A_147 = arith.muli %scan3A_145, %mul3A_146 : i32
      %get3A_148 = arith.index_cast %mul3A_147 : i32 to index
      %get3A_149 = tpu.vector_load %arg6[%get3A_148] {strides = array<i32>} : memref<4096xi32, #tpu.memory_space<vmem>>, vector<16xi32>,
      %mul3A_150 = arith.constant 16 : i32
      %mul3A_151 = arith.muli %scan3A_145, %mul3A_150 : i32
      %get3A_152 = arith.index_cast %mul3A_151 : i32 to index
      %get3A_153 = tpu.vector_load %arg7[%get3A_152] {strides = array<i32>} : memref<4096xi32, #tpu.memory_space<vmem>>, vector<16xi32>,
      %mul3A_154 = arith.constant 2048 : i32
      %mul3A_155 = vector.broadcast %mul3A_154 : i32 to vector<16xi32>
      %mul3A_156 = arith.muli %get3A_149, %mul3A_155 : vector<16xi32>
      %add3A_157 = arith.addi %mul3A_156, %get3A_153 : vector<16xi32>
      %sub3A_158 = vector.broadcast %mul3A_61 : i32 to vector<16xi32>
      %sub3A_159 = arith.subi %add3A_157, %sub3A_158 : vector<16xi32>
      %ge3A_160 = arith.constant 0 : i32
      %ge3A_161 = vector.broadcast %ge3A_160 : i32 to vector<16xi32>
      %ge3A_162 = arith.cmpi sge, %sub3A_159, %ge3A_161 : vector<16xi32>
      %lt3A_163 = arith.constant 524288 : i32
      %lt3A_164 = vector.broadcast %lt3A_163 : i32 to vector<16xi32>
      %lt3A_165 = arith.cmpi slt, %sub3A_159, %lt3A_164 : vector<16xi32>
      %and3A_166 = arith.andi %ge3A_162, %lt3A_165 : vector<16xi1>
      %select_n3A_167 = arith.select %and3A_166, %sub3A_159, %add3A_18 : vector<16xi1>, vector<16xi32>
      %mul3A_168 = arith.constant 16 : i32
      %mul3A_169 = arith.muli %scan3A_145, %mul3A_168 : i32
      %swap3A_170 = arith.index_cast %mul3A_169 : i32 to index
      %swap3A_171 = tpu.vector_load %arg8[%swap3A_170] {strides = array<i32>} : memref<4096xi32, #tpu.memory_space<vmem>>, vector<16xi32>,
      tpu.vector_store %arg8[%swap3A_170], %select_n3A_167 {strides = array<i32>} : memref<4096xi32, #tpu.memory_space<vmem>>, vector<16xi32>,
      %scan3A_172 = arith.constant 3 : i32
      %scan3A_173 = arith.addi %scan3A_96, %scan3A_172 : i32
      %mul3A_174 = arith.constant 16 : i32
      %mul3A_175 = arith.muli %scan3A_173, %mul3A_174 : i32
      %get3A_176 = arith.index_cast %mul3A_175 : i32 to index
      %get3A_177 = tpu.vector_load %arg6[%get3A_176] {strides = array<i32>} : memref<4096xi32, #tpu.memory_space<vmem>>, vector<16xi32>,
      %mul3A_178 = arith.constant 16 : i32
      %mul3A_179 = arith.muli %scan3A_173, %mul3A_178 : i32
      %get3A_180 = arith.index_cast %mul3A_179 : i32 to index
      %get3A_181 = tpu.vector_load %arg7[%get3A_180] {strides = array<i32>} : memref<4096xi32, #tpu.memory_space<vmem>>, vector<16xi32>,
      %mul3A_182 = arith.constant 2048 : i32
      %mul3A_183 = vector.broadcast %mul3A_182 : i32 to vector<16xi32>
      %mul3A_184 = arith.muli %get3A_177, %mul3A_183 : vector<16xi32>
      %add3A_185 = arith.addi %mul3A_184, %get3A_181 : vector<16xi32>
      %sub3A_186 = vector.broadcast %mul3A_61 : i32 to vector<16xi32>
      %sub3A_187 = arith.subi %add3A_185, %sub3A_186 : vector<16xi32>
      %ge3A_188 = arith.constant 0 : i32
      %ge3A_189 = vector.broadcast %ge3A_188 : i32 to vector<16xi32>
      %ge3A_190 = arith.cmpi sge, %sub3A_187, %ge3A_189 : vector<16xi32>
      %lt3A_191 = arith.constant 524288 : i32
      %lt3A_192 = vector.broadcast %lt3A_191 : i32 to vector<16xi32>
      %lt3A_193 = arith.cmpi slt, %sub3A_187, %lt3A_192 : vector<16xi32>
      %and3A_194 = arith.andi %ge3A_190, %lt3A_193 : vector<16xi1>
      %select_n3A_195 = arith.select %and3A_194, %sub3A_187, %add3A_18 : vector<16xi1>, vector<16xi32>
      %mul3A_196 = arith.constant 16 : i32
      %mul3A_197 = arith.muli %scan3A_173, %mul3A_196 : i32
      %swap3A_198 = arith.index_cast %mul3A_197 : i32 to index
      %swap3A_199 = tpu.vector_load %arg8[%swap3A_198] {strides = array<i32>} : memref<4096xi32, #tpu.memory_space<vmem>>, vector<16xi32>,
      tpu.vector_store %arg8[%swap3A_198], %select_n3A_195 {strides = array<i32>} : memref<4096xi32, #tpu.memory_space<vmem>>, vector<16xi32>,
      %scan3A_200 = arith.constant 4 : i32
      %scan3A_201 = arith.addi %scan3A_96, %scan3A_200 : i32
      %mul3A_202 = arith.constant 16 : i32
      %mul3A_203 = arith.muli %scan3A_201, %mul3A_202 : i32
      %get3A_204 = arith.index_cast %mul3A_203 : i32 to index
      %get3A_205 = tpu.vector_load %arg6[%get3A_204] {strides = array<i32>} : memref<4096xi32, #tpu.memory_space<vmem>>, vector<16xi32>,
      %mul3A_206 = arith.constant 16 : i32
      %mul3A_207 = arith.muli %scan3A_201, %mul3A_206 : i32
      %get3A_208 = arith.index_cast %mul3A_207 : i32 to index
      %get3A_209 = tpu.vector_load %arg7[%get3A_208] {strides = array<i32>} : memref<4096xi32, #tpu.memory_space<vmem>>, vector<16xi32>,
      %mul3A_210 = arith.constant 2048 : i32
      %mul3A_211 = vector.broadcast %mul3A_210 : i32 to vector<16xi32>
      %mul3A_212 = arith.muli %get3A_205, %mul3A_211 : vector<16xi32>
      %add3A_213 = arith.addi %mul3A_212, %get3A_209 : vector<16xi32>
      %sub3A_214 = vector.broadcast %mul3A_61 : i32 to vector<16xi32>
      %sub3A_215 = arith.subi %add3A_213, %sub3A_214 : vector<16xi32>
      %ge3A_216 = arith.constant 0 : i32
      %ge3A_217 = vector.broadcast %ge3A_216 : i32 to vector<16xi32>
      %ge3A_218 = arith.cmpi sge, %sub3A_215, %ge3A_217 : vector<16xi32>
      %lt3A_219 = arith.constant 524288 : i32
      %lt3A_220 = vector.broadcast %lt3A_219 : i32 to vector<16xi32>
      %lt3A_221 = arith.cmpi slt, %sub3A_215, %lt3A_220 : vector<16xi32>
      %and3A_222 = arith.andi %ge3A_218, %lt3A_221 : vector<16xi1>
      %select_n3A_223 = arith.select %and3A_222, %sub3A_215, %add3A_18 : vector<16xi1>, vector<16xi32>
      %mul3A_224 = arith.constant 16 : i32
      %mul3A_225 = arith.muli %scan3A_201, %mul3A_224 : i32
      %swap3A_226 = arith.index_cast %mul3A_225 : i32 to index
      %swap3A_227 = tpu.vector_load %arg8[%swap3A_226] {strides = array<i32>} : memref<4096xi32, #tpu.memory_space<vmem>>, vector<16xi32>,
      tpu.vector_store %arg8[%swap3A_226], %select_n3A_223 {strides = array<i32>} : memref<4096xi32, #tpu.memory_space<vmem>>, vector<16xi32>,
      %scan3A_228 = arith.constant 5 : i32
      %scan3A_229 = arith.addi %scan3A_96, %scan3A_228 : i32
      %mul3A_230 = arith.constant 16 : i32
      %mul3A_231 = arith.muli %scan3A_229, %mul3A_230 : i32
      %get3A_232 = arith.index_cast %mul3A_231 : i32 to index
      %get3A_233 = tpu.vector_load %arg6[%get3A_232] {strides = array<i32>} : memref<4096xi32, #tpu.memory_space<vmem>>, vector<16xi32>,
      %mul3A_234 = arith.constant 16 : i32
      %mul3A_235 = arith.muli %scan3A_229, %mul3A_234 : i32
      %get3A_236 = arith.index_cast %mul3A_235 : i32 to index
      %get3A_237 = tpu.vector_load %arg7[%get3A_236] {strides = array<i32>} : memref<4096xi32, #tpu.memory_space<vmem>>, vector<16xi32>,
      %mul3A_238 = arith.constant 2048 : i32
      %mul3A_239 = vector.broadcast %mul3A_238 : i32 to vector<16xi32>
      %mul3A_240 = arith.muli %get3A_233, %mul3A_239 : vector<16xi32>
      %add3A_241 = arith.addi %mul3A_240, %get3A_237 : vector<16xi32>
      %sub3A_242 = vector.broadcast %mul3A_61 : i32 to vector<16xi32>
      %sub3A_243 = arith.subi %add3A_241, %sub3A_242 : vector<16xi32>
      %ge3A_244 = arith.constant 0 : i32
      %ge3A_245 = vector.broadcast %ge3A_244 : i32 to vector<16xi32>
      %ge3A_246 = arith.cmpi sge, %sub3A_243, %ge3A_245 : vector<16xi32>
      %lt3A_247 = arith.constant 524288 : i32
      %lt3A_248 = vector.broadcast %lt3A_247 : i32 to vector<16xi32>
      %lt3A_249 = arith.cmpi slt, %sub3A_243, %lt3A_248 : vector<16xi32>
      %and3A_250 = arith.andi %ge3A_246, %lt3A_249 : vector<16xi1>
      %select_n3A_251 = arith.select %and3A_250, %sub3A_243, %add3A_18 : vector<16xi1>, vector<16xi32>
      %mul3A_252 = arith.constant 16 : i32
      %mul3A_253 = arith.muli %scan3A_229, %mul3A_252 : i32
      %swap3A_254 = arith.index_cast %mul3A_253 : i32 to index
      %swap3A_255 = tpu.vector_load %arg8[%swap3A_254] {strides = array<i32>} : memref<4096xi32, #tpu.memory_space<vmem>>, vector<16xi32>,
      tpu.vector_store %arg8[%swap3A_254], %select_n3A_251 {strides = array<i32>} : memref<4096xi32, #tpu.memory_space<vmem>>, vector<16xi32>,
      %scan3A_256 = arith.constant 6 : i32
      %scan3A_257 = arith.addi %scan3A_96, %scan3A_256 : i32
      %mul3A_258 = arith.constant 16 : i32
      %mul3A_259 = arith.muli %scan3A_257, %mul3A_258 : i32
      %get3A_260 = arith.index_cast %mul3A_259 : i32 to index
      %get3A_261 = tpu.vector_load %arg6[%get3A_260] {strides = array<i32>} : memref<4096xi32, #tpu.memory_space<vmem>>, vector<16xi32>,
      %mul3A_262 = arith.constant 16 : i32
      %mul3A_263 = arith.muli %scan3A_257, %mul3A_262 : i32
      %get3A_264 = arith.index_cast %mul3A_263 : i32 to index
      %get3A_265 = tpu.vector_load %arg7[%get3A_264] {strides = array<i32>} : memref<4096xi32, #tpu.memory_space<vmem>>, vector<16xi32>,
      %mul3A_266 = arith.constant 2048 : i32
      %mul3A_267 = vector.broadcast %mul3A_266 : i32 to vector<16xi32>
      %mul3A_268 = arith.muli %get3A_261, %mul3A_267 : vector<16xi32>
      %add3A_269 = arith.addi %mul3A_268, %get3A_265 : vector<16xi32>
      %sub3A_270 = vector.broadcast %mul3A_61 : i32 to vector<16xi32>
      %sub3A_271 = arith.subi %add3A_269, %sub3A_270 : vector<16xi32>
      %ge3A_272 = arith.constant 0 : i32
      %ge3A_273 = vector.broadcast %ge3A_272 : i32 to vector<16xi32>
      %ge3A_274 = arith.cmpi sge, %sub3A_271, %ge3A_273 : vector<16xi32>
      %lt3A_275 = arith.constant 524288 : i32
      %lt3A_276 = vector.broadcast %lt3A_275 : i32 to vector<16xi32>
      %lt3A_277 = arith.cmpi slt, %sub3A_271, %lt3A_276 : vector<16xi32>
      %and3A_278 = arith.andi %ge3A_274, %lt3A_277 : vector<16xi1>
      %select_n3A_279 = arith.select %and3A_278, %sub3A_271, %add3A_18 : vector<16xi1>, vector<16xi32>
      %mul3A_280 = arith.constant 16 : i32
      %mul3A_281 = arith.muli %scan3A_257, %mul3A_280 : i32
      %swap3A_282 = arith.index_cast %mul3A_281 : i32 to index
      %swap3A_283 = tpu.vector_load %arg8[%swap3A_282] {strides = array<i32>} : memref<4096xi32, #tpu.memory_space<vmem>>, vector<16xi32>,
      tpu.vector_store %arg8[%swap3A_282], %select_n3A_279 {strides = array<i32>} : memref<4096xi32, #tpu.memory_space<vmem>>, vector<16xi32>,
      %scan3A_284 = arith.constant 7 : i32
      %scan3A_285 = arith.addi %scan3A_96, %scan3A_284 : i32
      %mul3A_286 = arith.constant 16 : i32
      %mul3A_287 = arith.muli %scan3A_285, %mul3A_286 : i32
      %get3A_288 = arith.index_cast %mul3A_287 : i32 to index
      %get3A_289 = tpu.vector_load %arg6[%get3A_288] {strides = array<i32>} : memref<4096xi32, #tpu.memory_space<vmem>>, vector<16xi32>,
      %mul3A_290 = arith.constant 16 : i32
      %mul3A_291 = arith.muli %scan3A_285, %mul3A_290 : i32
      %get3A_292 = arith.index_cast %mul3A_291 : i32 to index
      %get3A_293 = tpu.vector_load %arg7[%get3A_292] {strides = array<i32>} : memref<4096xi32, #tpu.memory_space<vmem>>, vector<16xi32>,
      %mul3A_294 = arith.constant 2048 : i32
      %mul3A_295 = vector.broadcast %mul3A_294 : i32 to vector<16xi32>
      %mul3A_296 = arith.muli %get3A_289, %mul3A_295 : vector<16xi32>
      %add3A_297 = arith.addi %mul3A_296, %get3A_293 : vector<16xi32>
      %sub3A_298 = vector.broadcast %mul3A_61 : i32 to vector<16xi32>
      %sub3A_299 = arith.subi %add3A_297, %sub3A_298 : vector<16xi32>
      %ge3A_300 = arith.constant 0 : i32
      %ge3A_301 = vector.broadcast %ge3A_300 : i32 to vector<16xi32>
      %ge3A_302 = arith.cmpi sge, %sub3A_299, %ge3A_301 : vector<16xi32>
      %lt3A_303 = arith.constant 524288 : i32
      %lt3A_304 = vector.broadcast %lt3A_303 : i32 to vector<16xi32>
      %lt3A_305 = arith.cmpi slt, %sub3A_299, %lt3A_304 : vector<16xi32>
      %and3A_306 = arith.andi %ge3A_302, %lt3A_305 : vector<16xi1>
      %select_n3A_307 = arith.select %and3A_306, %sub3A_299, %add3A_18 : vector<16xi1>, vector<16xi32>
      %mul3A_308 = arith.constant 16 : i32
      %mul3A_309 = arith.muli %scan3A_285, %mul3A_308 : i32
      %swap3A_310 = arith.index_cast %mul3A_309 : i32 to index
      %swap3A_311 = tpu.vector_load %arg8[%swap3A_310] {strides = array<i32>} : memref<4096xi32, #tpu.memory_space<vmem>>, vector<16xi32>,
      tpu.vector_store %arg8[%swap3A_310], %select_n3A_307 {strides = array<i32>} : memref<4096xi32, #tpu.memory_space<vmem>>, vector<16xi32>,
    }
    %scan3A_68 = arith.constant 256 : i32
    %dma_start3A_69 = arith.constant 0 : i32
    %dma_start3A_70 = tpu.memref_slice %arg10[%dma_start3A_69] : memref<524416xf32, #tpu.memory_space<vmem_shared>> -> memref<524416xf32, #tpu.memory_space<vmem_shared>>
    tpu.enqueue_indirect_dma source(%arg9 : memref<4096xf32, #tpu.memory_space<vmem>>) target(%dma_start3A_70 : memref<524416xf32, #tpu.memory_space<vmem_shared>>) offsets(%arg8 : memref<4096xi32, #tpu.memory_space<vmem>>) semaphore(%arg11 : memref<!tpu.dma_semaphore, #tpu.memory_space<semaphore_mem>>)
    %dma_wait3A_71 = arith.constant 0 : i32
    %dma_wait3A_72 = tpu.memref_slice %arg10[%dma_wait3A_71] : memref<524416xf32, #tpu.memory_space<vmem_shared>> -> memref<524416xf32, #tpu.memory_space<vmem_shared>>
    tpu.wait_indirect_dma semaphore(%arg11 : memref<!tpu.dma_semaphore, #tpu.memory_space<semaphore_mem>>) src(%arg9 : memref<4096xf32, #tpu.memory_space<vmem>>) dst(%dma_wait3A_72 : memref<524416xf32, #tpu.memory_space<vmem_shared>>)
    %barrier3A_73 = arith.constant 0 : index
    tpu.barrier barrier_id(%barrier3A_73)
    %add3A_74 = arith.addi %mul3A_61, %multiple_of3A : i32
    %multiple_of3A_75 = tpu.assume_multiple %add3A_74, 8 : i32
    "tpu.region"() ({
      %run_scoped3A = tpu.sem_alloc : memref<!tpu.dma_semaphore, #tpu.memory_space<semaphore_mem>>
      %dma_start3A_96 = tpu.memref_slice %arg4[%multiple_of3A_75] : memref<4194304xf32, #tpu.memory_space<hbm>> -> memref<32768xf32, #tpu.memory_space<hbm>>
      %dma_start3A_97 = tpu.memref_slice %arg10[%multiple_of3A] : memref<524416xf32, #tpu.memory_space<vmem_shared>> -> memref<32768xf32, #tpu.memory_space<vmem_shared>>
      tpu.enqueue_dma source(%dma_start3A_97 : memref<32768xf32, #tpu.memory_space<vmem_shared>>) target(%dma_start3A_96 : memref<32768xf32, #tpu.memory_space<hbm>>) target_semaphore(%run_scoped3A : memref<!tpu.dma_semaphore, #tpu.memory_space<semaphore_mem>>)
      %dma_wait3A_98 = tpu.memref_slice %arg4[%multiple_of3A_75] : memref<4194304xf32, #tpu.memory_space<hbm>> -> memref<32768xf32, #tpu.memory_space<hbm>>
      %dma_wait3A_99 = tpu.memref_slice %arg10[%multiple_of3A] : memref<524416xf32, #tpu.memory_space<vmem_shared>> -> memref<32768xf32, #tpu.memory_space<vmem_shared>>
      tpu.wait_dma2 semaphore(%run_scoped3A : memref<!tpu.dma_semaphore, #tpu.memory_space<semaphore_mem>>) src(%dma_wait3A_99 : memref<32768xf32, #tpu.memory_space<vmem_shared>>) dst(%dma_wait3A_98 : memref<32768xf32, #tpu.memory_space<hbm>>)
      tpu.yield
    }) : () -> ()
    %mul3A_76 = arith.constant 4 : i32
    %mul3A_77 = arith.muli %arg0, %mul3A_76 : i32
    %add3A_78 = arith.constant 3 : i32
    %add3A_79 = arith.addi %mul3A_77, %add3A_78 : i32
    %mul3A_80 = arith.constant 524288 : i32
    %mul3A_81 = arith.muli %add3A_79, %mul3A_80 : i32
    "tpu.region"() ({
      %run_scoped3A = tpu.sem_alloc : memref<!tpu.dma_semaphore, #tpu.memory_space<semaphore_mem>>
      %dma_start3A_96 = tpu.memref_slice %arg10[%multiple_of3A] : memref<524416xf32, #tpu.memory_space<vmem_shared>> -> memref<32768xf32, #tpu.memory_space<vmem_shared>>
      %dma_start3A_97 = tpu.memref_slice %arg10[%multiple_of3A] : memref<524416xf32, #tpu.memory_space<vmem_shared>> -> memref<32768xf32, #tpu.memory_space<vmem_shared>>
      tpu.enqueue_dma source(%arg5 : memref<32768xf32, #tpu.memory_space<vmem>>) target(%dma_start3A_97 : memref<32768xf32, #tpu.memory_space<vmem_shared>>) target_semaphore(%run_scoped3A : memref<!tpu.dma_semaphore, #tpu.memory_space<semaphore_mem>>)
      %dma_wait3A_98 = tpu.memref_slice %arg10[%multiple_of3A] : memref<524416xf32, #tpu.memory_space<vmem_shared>> -> memref<32768xf32, #tpu.memory_space<vmem_shared>>
      %dma_wait3A_99 = tpu.memref_slice %arg10[%multiple_of3A] : memref<524416xf32, #tpu.memory_space<vmem_shared>> -> memref<32768xf32, #tpu.memory_space<vmem_shared>>
      tpu.wait_dma2 semaphore(%run_scoped3A : memref<!tpu.dma_semaphore, #tpu.memory_space<semaphore_mem>>) src(%arg5 : memref<32768xf32, #tpu.memory_space<vmem>>) dst(%dma_wait3A_99 : memref<32768xf32, #tpu.memory_space<vmem_shared>>)
      tpu.yield
    }) : () -> ()
    %barrier3A_82 = arith.constant 0 : index
    tpu.barrier barrier_id(%barrier3A_82)
    %scan3A_83 = arith.constant 0 : i32
    %scan3A_84 = arith.constant 0 : i32
    %scan3A_85 = arith.constant 256 : i32
    %scan3A_86 = arith.addi %scan3A_84, %scan3A_85 : i32
    %scan3A_87 = arith.constant 8 : i32
    scf.for %scan3A_96 = %scan3A_84 to %scan3A_86 step %scan3A_87  : i32 {
      %mul3A_97 = arith.constant 16 : i32
      %mul3A_98 = arith.muli %scan3A_96, %mul3A_97 : i32
      %get3A = arith.index_cast %mul3A_98 : i32 to index
      %get3A_99 = tpu.vector_load %arg6[%get3A] {strides = array<i32>} : memref<4096xi32, #tpu.memory_space<vmem>>, vector<16xi32>,
      %mul3A_100 = arith.constant 16 : i32
      %mul3A_101 = arith.muli %scan3A_96, %mul3A_100 : i32
      %get3A_102 = arith.index_cast %mul3A_101 : i32 to index
      %get3A_103 = tpu.vector_load %arg7[%get3A_102] {strides = array<i32>} : memref<4096xi32, #tpu.memory_space<vmem>>, vector<16xi32>,
      %mul3A_104 = arith.constant 2048 : i32
      %mul3A_105 = vector.broadcast %mul3A_104 : i32 to vector<16xi32>
      %mul3A_106 = arith.muli %get3A_99, %mul3A_105 : vector<16xi32>
      %add3A_107 = arith.addi %mul3A_106, %get3A_103 : vector<16xi32>
      %sub3A = vector.broadcast %mul3A_81 : i32 to vector<16xi32>
      %sub3A_108 = arith.subi %add3A_107, %sub3A : vector<16xi32>
      %ge3A = arith.constant 0 : i32
      %ge3A_109 = vector.broadcast %ge3A : i32 to vector<16xi32>
      %ge3A_110 = arith.cmpi sge, %sub3A_108, %ge3A_109 : vector<16xi32>
      %lt3A = arith.constant 524288 : i32
      %lt3A_111 = vector.broadcast %lt3A : i32 to vector<16xi32>
      %lt3A_112 = arith.cmpi slt, %sub3A_108, %lt3A_111 : vector<16xi32>
      %and3A = arith.andi %ge3A_110, %lt3A_112 : vector<16xi1>
      %select_n3A = arith.select %and3A, %sub3A_108, %add3A_18 : vector<16xi1>, vector<16xi32>
      %mul3A_113 = arith.constant 16 : i32
      %mul3A_114 = arith.muli %scan3A_96, %mul3A_113 : i32
      %swap3A = arith.index_cast %mul3A_114 : i32 to index
      %swap3A_115 = tpu.vector_load %arg8[%swap3A] {strides = array<i32>} : memref<4096xi32, #tpu.memory_space<vmem>>, vector<16xi32>,
      tpu.vector_store %arg8[%swap3A], %select_n3A {strides = array<i32>} : memref<4096xi32, #tpu.memory_space<vmem>>, vector<16xi32>,
      %scan3A_116 = arith.constant 1 : i32
      %scan3A_117 = arith.addi %scan3A_96, %scan3A_116 : i32
      %mul3A_118 = arith.constant 16 : i32
      %mul3A_119 = arith.muli %scan3A_117, %mul3A_118 : i32
      %get3A_120 = arith.index_cast %mul3A_119 : i32 to index
      %get3A_121 = tpu.vector_load %arg6[%get3A_120] {strides = array<i32>} : memref<4096xi32, #tpu.memory_space<vmem>>, vector<16xi32>,
      %mul3A_122 = arith.constant 16 : i32
      %mul3A_123 = arith.muli %scan3A_117, %mul3A_122 : i32
      %get3A_124 = arith.index_cast %mul3A_123 : i32 to index
      %get3A_125 = tpu.vector_load %arg7[%get3A_124] {strides = array<i32>} : memref<4096xi32, #tpu.memory_space<vmem>>, vector<16xi32>,
      %mul3A_126 = arith.constant 2048 : i32
      %mul3A_127 = vector.broadcast %mul3A_126 : i32 to vector<16xi32>
      %mul3A_128 = arith.muli %get3A_121, %mul3A_127 : vector<16xi32>
      %add3A_129 = arith.addi %mul3A_128, %get3A_125 : vector<16xi32>
      %sub3A_130 = vector.broadcast %mul3A_81 : i32 to vector<16xi32>
      %sub3A_131 = arith.subi %add3A_129, %sub3A_130 : vector<16xi32>
      %ge3A_132 = arith.constant 0 : i32
      %ge3A_133 = vector.broadcast %ge3A_132 : i32 to vector<16xi32>
      %ge3A_134 = arith.cmpi sge, %sub3A_131, %ge3A_133 : vector<16xi32>
      %lt3A_135 = arith.constant 524288 : i32
      %lt3A_136 = vector.broadcast %lt3A_135 : i32 to vector<16xi32>
      %lt3A_137 = arith.cmpi slt, %sub3A_131, %lt3A_136 : vector<16xi32>
      %and3A_138 = arith.andi %ge3A_134, %lt3A_137 : vector<16xi1>
      %select_n3A_139 = arith.select %and3A_138, %sub3A_131, %add3A_18 : vector<16xi1>, vector<16xi32>
      %mul3A_140 = arith.constant 16 : i32
      %mul3A_141 = arith.muli %scan3A_117, %mul3A_140 : i32
      %swap3A_142 = arith.index_cast %mul3A_141 : i32 to index
      %swap3A_143 = tpu.vector_load %arg8[%swap3A_142] {strides = array<i32>} : memref<4096xi32, #tpu.memory_space<vmem>>, vector<16xi32>,
      tpu.vector_store %arg8[%swap3A_142], %select_n3A_139 {strides = array<i32>} : memref<4096xi32, #tpu.memory_space<vmem>>, vector<16xi32>,
      %scan3A_144 = arith.constant 2 : i32
      %scan3A_145 = arith.addi %scan3A_96, %scan3A_144 : i32
      %mul3A_146 = arith.constant 16 : i32
      %mul3A_147 = arith.muli %scan3A_145, %mul3A_146 : i32
      %get3A_148 = arith.index_cast %mul3A_147 : i32 to index
      %get3A_149 = tpu.vector_load %arg6[%get3A_148] {strides = array<i32>} : memref<4096xi32, #tpu.memory_space<vmem>>, vector<16xi32>,
      %mul3A_150 = arith.constant 16 : i32
      %mul3A_151 = arith.muli %scan3A_145, %mul3A_150 : i32
      %get3A_152 = arith.index_cast %mul3A_151 : i32 to index
      %get3A_153 = tpu.vector_load %arg7[%get3A_152] {strides = array<i32>} : memref<4096xi32, #tpu.memory_space<vmem>>, vector<16xi32>,
      %mul3A_154 = arith.constant 2048 : i32
      %mul3A_155 = vector.broadcast %mul3A_154 : i32 to vector<16xi32>
      %mul3A_156 = arith.muli %get3A_149, %mul3A_155 : vector<16xi32>
      %add3A_157 = arith.addi %mul3A_156, %get3A_153 : vector<16xi32>
      %sub3A_158 = vector.broadcast %mul3A_81 : i32 to vector<16xi32>
      %sub3A_159 = arith.subi %add3A_157, %sub3A_158 : vector<16xi32>
      %ge3A_160 = arith.constant 0 : i32
      %ge3A_161 = vector.broadcast %ge3A_160 : i32 to vector<16xi32>
      %ge3A_162 = arith.cmpi sge, %sub3A_159, %ge3A_161 : vector<16xi32>
      %lt3A_163 = arith.constant 524288 : i32
      %lt3A_164 = vector.broadcast %lt3A_163 : i32 to vector<16xi32>
      %lt3A_165 = arith.cmpi slt, %sub3A_159, %lt3A_164 : vector<16xi32>
      %and3A_166 = arith.andi %ge3A_162, %lt3A_165 : vector<16xi1>
      %select_n3A_167 = arith.select %and3A_166, %sub3A_159, %add3A_18 : vector<16xi1>, vector<16xi32>
      %mul3A_168 = arith.constant 16 : i32
      %mul3A_169 = arith.muli %scan3A_145, %mul3A_168 : i32
      %swap3A_170 = arith.index_cast %mul3A_169 : i32 to index
      %swap3A_171 = tpu.vector_load %arg8[%swap3A_170] {strides = array<i32>} : memref<4096xi32, #tpu.memory_space<vmem>>, vector<16xi32>,
      tpu.vector_store %arg8[%swap3A_170], %select_n3A_167 {strides = array<i32>} : memref<4096xi32, #tpu.memory_space<vmem>>, vector<16xi32>,
      %scan3A_172 = arith.constant 3 : i32
      %scan3A_173 = arith.addi %scan3A_96, %scan3A_172 : i32
      %mul3A_174 = arith.constant 16 : i32
      %mul3A_175 = arith.muli %scan3A_173, %mul3A_174 : i32
      %get3A_176 = arith.index_cast %mul3A_175 : i32 to index
      %get3A_177 = tpu.vector_load %arg6[%get3A_176] {strides = array<i32>} : memref<4096xi32, #tpu.memory_space<vmem>>, vector<16xi32>,
      %mul3A_178 = arith.constant 16 : i32
      %mul3A_179 = arith.muli %scan3A_173, %mul3A_178 : i32
      %get3A_180 = arith.index_cast %mul3A_179 : i32 to index
      %get3A_181 = tpu.vector_load %arg7[%get3A_180] {strides = array<i32>} : memref<4096xi32, #tpu.memory_space<vmem>>, vector<16xi32>,
      %mul3A_182 = arith.constant 2048 : i32
      %mul3A_183 = vector.broadcast %mul3A_182 : i32 to vector<16xi32>
      %mul3A_184 = arith.muli %get3A_177, %mul3A_183 : vector<16xi32>
      %add3A_185 = arith.addi %mul3A_184, %get3A_181 : vector<16xi32>
      %sub3A_186 = vector.broadcast %mul3A_81 : i32 to vector<16xi32>
      %sub3A_187 = arith.subi %add3A_185, %sub3A_186 : vector<16xi32>
      %ge3A_188 = arith.constant 0 : i32
      %ge3A_189 = vector.broadcast %ge3A_188 : i32 to vector<16xi32>
      %ge3A_190 = arith.cmpi sge, %sub3A_187, %ge3A_189 : vector<16xi32>
      %lt3A_191 = arith.constant 524288 : i32
      %lt3A_192 = vector.broadcast %lt3A_191 : i32 to vector<16xi32>
      %lt3A_193 = arith.cmpi slt, %sub3A_187, %lt3A_192 : vector<16xi32>
      %and3A_194 = arith.andi %ge3A_190, %lt3A_193 : vector<16xi1>
      %select_n3A_195 = arith.select %and3A_194, %sub3A_187, %add3A_18 : vector<16xi1>, vector<16xi32>
      %mul3A_196 = arith.constant 16 : i32
      %mul3A_197 = arith.muli %scan3A_173, %mul3A_196 : i32
      %swap3A_198 = arith.index_cast %mul3A_197 : i32 to index
      %swap3A_199 = tpu.vector_load %arg8[%swap3A_198] {strides = array<i32>} : memref<4096xi32, #tpu.memory_space<vmem>>, vector<16xi32>,
      tpu.vector_store %arg8[%swap3A_198], %select_n3A_195 {strides = array<i32>} : memref<4096xi32, #tpu.memory_space<vmem>>, vector<16xi32>,
      %scan3A_200 = arith.constant 4 : i32
      %scan3A_201 = arith.addi %scan3A_96, %scan3A_200 : i32
      %mul3A_202 = arith.constant 16 : i32
      %mul3A_203 = arith.muli %scan3A_201, %mul3A_202 : i32
      %get3A_204 = arith.index_cast %mul3A_203 : i32 to index
      %get3A_205 = tpu.vector_load %arg6[%get3A_204] {strides = array<i32>} : memref<4096xi32, #tpu.memory_space<vmem>>, vector<16xi32>,
      %mul3A_206 = arith.constant 16 : i32
      %mul3A_207 = arith.muli %scan3A_201, %mul3A_206 : i32
      %get3A_208 = arith.index_cast %mul3A_207 : i32 to index
      %get3A_209 = tpu.vector_load %arg7[%get3A_208] {strides = array<i32>} : memref<4096xi32, #tpu.memory_space<vmem>>, vector<16xi32>,
      %mul3A_210 = arith.constant 2048 : i32
      %mul3A_211 = vector.broadcast %mul3A_210 : i32 to vector<16xi32>
      %mul3A_212 = arith.muli %get3A_205, %mul3A_211 : vector<16xi32>
      %add3A_213 = arith.addi %mul3A_212, %get3A_209 : vector<16xi32>
      %sub3A_214 = vector.broadcast %mul3A_81 : i32 to vector<16xi32>
      %sub3A_215 = arith.subi %add3A_213, %sub3A_214 : vector<16xi32>
      %ge3A_216 = arith.constant 0 : i32
      %ge3A_217 = vector.broadcast %ge3A_216 : i32 to vector<16xi32>
      %ge3A_218 = arith.cmpi sge, %sub3A_215, %ge3A_217 : vector<16xi32>
      %lt3A_219 = arith.constant 524288 : i32
      %lt3A_220 = vector.broadcast %lt3A_219 : i32 to vector<16xi32>
      %lt3A_221 = arith.cmpi slt, %sub3A_215, %lt3A_220 : vector<16xi32>
      %and3A_222 = arith.andi %ge3A_218, %lt3A_221 : vector<16xi1>
      %select_n3A_223 = arith.select %and3A_222, %sub3A_215, %add3A_18 : vector<16xi1>, vector<16xi32>
      %mul3A_224 = arith.constant 16 : i32
      %mul3A_225 = arith.muli %scan3A_201, %mul3A_224 : i32
      %swap3A_226 = arith.index_cast %mul3A_225 : i32 to index
      %swap3A_227 = tpu.vector_load %arg8[%swap3A_226] {strides = array<i32>} : memref<4096xi32, #tpu.memory_space<vmem>>, vector<16xi32>,
      tpu.vector_store %arg8[%swap3A_226], %select_n3A_223 {strides = array<i32>} : memref<4096xi32, #tpu.memory_space<vmem>>, vector<16xi32>,
      %scan3A_228 = arith.constant 5 : i32
      %scan3A_229 = arith.addi %scan3A_96, %scan3A_228 : i32
      %mul3A_230 = arith.constant 16 : i32
      %mul3A_231 = arith.muli %scan3A_229, %mul3A_230 : i32
      %get3A_232 = arith.index_cast %mul3A_231 : i32 to index
      %get3A_233 = tpu.vector_load %arg6[%get3A_232] {strides = array<i32>} : memref<4096xi32, #tpu.memory_space<vmem>>, vector<16xi32>,
      %mul3A_234 = arith.constant 16 : i32
      %mul3A_235 = arith.muli %scan3A_229, %mul3A_234 : i32
      %get3A_236 = arith.index_cast %mul3A_235 : i32 to index
      %get3A_237 = tpu.vector_load %arg7[%get3A_236] {strides = array<i32>} : memref<4096xi32, #tpu.memory_space<vmem>>, vector<16xi32>,
      %mul3A_238 = arith.constant 2048 : i32
      %mul3A_239 = vector.broadcast %mul3A_238 : i32 to vector<16xi32>
      %mul3A_240 = arith.muli %get3A_233, %mul3A_239 : vector<16xi32>
      %add3A_241 = arith.addi %mul3A_240, %get3A_237 : vector<16xi32>
      %sub3A_242 = vector.broadcast %mul3A_81 : i32 to vector<16xi32>
      %sub3A_243 = arith.subi %add3A_241, %sub3A_242 : vector<16xi32>
      %ge3A_244 = arith.constant 0 : i32
      %ge3A_245 = vector.broadcast %ge3A_244 : i32 to vector<16xi32>
      %ge3A_246 = arith.cmpi sge, %sub3A_243, %ge3A_245 : vector<16xi32>
      %lt3A_247 = arith.constant 524288 : i32
      %lt3A_248 = vector.broadcast %lt3A_247 : i32 to vector<16xi32>
      %lt3A_249 = arith.cmpi slt, %sub3A_243, %lt3A_248 : vector<16xi32>
      %and3A_250 = arith.andi %ge3A_246, %lt3A_249 : vector<16xi1>
      %select_n3A_251 = arith.select %and3A_250, %sub3A_243, %add3A_18 : vector<16xi1>, vector<16xi32>
      %mul3A_252 = arith.constant 16 : i32
      %mul3A_253 = arith.muli %scan3A_229, %mul3A_252 : i32
      %swap3A_254 = arith.index_cast %mul3A_253 : i32 to index
      %swap3A_255 = tpu.vector_load %arg8[%swap3A_254] {strides = array<i32>} : memref<4096xi32, #tpu.memory_space<vmem>>, vector<16xi32>,
      tpu.vector_store %arg8[%swap3A_254], %select_n3A_251 {strides = array<i32>} : memref<4096xi32, #tpu.memory_space<vmem>>, vector<16xi32>,
      %scan3A_256 = arith.constant 6 : i32
      %scan3A_257 = arith.addi %scan3A_96, %scan3A_256 : i32
      %mul3A_258 = arith.constant 16 : i32
      %mul3A_259 = arith.muli %scan3A_257, %mul3A_258 : i32
      %get3A_260 = arith.index_cast %mul3A_259 : i32 to index
      %get3A_261 = tpu.vector_load %arg6[%get3A_260] {strides = array<i32>} : memref<4096xi32, #tpu.memory_space<vmem>>, vector<16xi32>,
      %mul3A_262 = arith.constant 16 : i32
      %mul3A_263 = arith.muli %scan3A_257, %mul3A_262 : i32
      %get3A_264 = arith.index_cast %mul3A_263 : i32 to index
      %get3A_265 = tpu.vector_load %arg7[%get3A_264] {strides = array<i32>} : memref<4096xi32, #tpu.memory_space<vmem>>, vector<16xi32>,
      %mul3A_266 = arith.constant 2048 : i32
      %mul3A_267 = vector.broadcast %mul3A_266 : i32 to vector<16xi32>
      %mul3A_268 = arith.muli %get3A_261, %mul3A_267 : vector<16xi32>
      %add3A_269 = arith.addi %mul3A_268, %get3A_265 : vector<16xi32>
      %sub3A_270 = vector.broadcast %mul3A_81 : i32 to vector<16xi32>
      %sub3A_271 = arith.subi %add3A_269, %sub3A_270 : vector<16xi32>
      %ge3A_272 = arith.constant 0 : i32
      %ge3A_273 = vector.broadcast %ge3A_272 : i32 to vector<16xi32>
      %ge3A_274 = arith.cmpi sge, %sub3A_271, %ge3A_273 : vector<16xi32>
      %lt3A_275 = arith.constant 524288 : i32
      %lt3A_276 = vector.broadcast %lt3A_275 : i32 to vector<16xi32>
      %lt3A_277 = arith.cmpi slt, %sub3A_271, %lt3A_276 : vector<16xi32>
      %and3A_278 = arith.andi %ge3A_274, %lt3A_277 : vector<16xi1>
      %select_n3A_279 = arith.select %and3A_278, %sub3A_271, %add3A_18 : vector<16xi1>, vector<16xi32>
      %mul3A_280 = arith.constant 16 : i32
      %mul3A_281 = arith.muli %scan3A_257, %mul3A_280 : i32
      %swap3A_282 = arith.index_cast %mul3A_281 : i32 to index
      %swap3A_283 = tpu.vector_load %arg8[%swap3A_282] {strides = array<i32>} : memref<4096xi32, #tpu.memory_space<vmem>>, vector<16xi32>,
      tpu.vector_store %arg8[%swap3A_282], %select_n3A_279 {strides = array<i32>} : memref<4096xi32, #tpu.memory_space<vmem>>, vector<16xi32>,
      %scan3A_284 = arith.constant 7 : i32
      %scan3A_285 = arith.addi %scan3A_96, %scan3A_284 : i32
      %mul3A_286 = arith.constant 16 : i32
      %mul3A_287 = arith.muli %scan3A_285, %mul3A_286 : i32
      %get3A_288 = arith.index_cast %mul3A_287 : i32 to index
      %get3A_289 = tpu.vector_load %arg6[%get3A_288] {strides = array<i32>} : memref<4096xi32, #tpu.memory_space<vmem>>, vector<16xi32>,
      %mul3A_290 = arith.constant 16 : i32
      %mul3A_291 = arith.muli %scan3A_285, %mul3A_290 : i32
      %get3A_292 = arith.index_cast %mul3A_291 : i32 to index
      %get3A_293 = tpu.vector_load %arg7[%get3A_292] {strides = array<i32>} : memref<4096xi32, #tpu.memory_space<vmem>>, vector<16xi32>,
      %mul3A_294 = arith.constant 2048 : i32
      %mul3A_295 = vector.broadcast %mul3A_294 : i32 to vector<16xi32>
      %mul3A_296 = arith.muli %get3A_289, %mul3A_295 : vector<16xi32>
      %add3A_297 = arith.addi %mul3A_296, %get3A_293 : vector<16xi32>
      %sub3A_298 = vector.broadcast %mul3A_81 : i32 to vector<16xi32>
      %sub3A_299 = arith.subi %add3A_297, %sub3A_298 : vector<16xi32>
      %ge3A_300 = arith.constant 0 : i32
      %ge3A_301 = vector.broadcast %ge3A_300 : i32 to vector<16xi32>
      %ge3A_302 = arith.cmpi sge, %sub3A_299, %ge3A_301 : vector<16xi32>
      %lt3A_303 = arith.constant 524288 : i32
      %lt3A_304 = vector.broadcast %lt3A_303 : i32 to vector<16xi32>
      %lt3A_305 = arith.cmpi slt, %sub3A_299, %lt3A_304 : vector<16xi32>
      %and3A_306 = arith.andi %ge3A_302, %lt3A_305 : vector<16xi1>
      %select_n3A_307 = arith.select %and3A_306, %sub3A_299, %add3A_18 : vector<16xi1>, vector<16xi32>
      %mul3A_308 = arith.constant 16 : i32
      %mul3A_309 = arith.muli %scan3A_285, %mul3A_308 : i32
      %swap3A_310 = arith.index_cast %mul3A_309 : i32 to index
      %swap3A_311 = tpu.vector_load %arg8[%swap3A_310] {strides = array<i32>} : memref<4096xi32, #tpu.memory_space<vmem>>, vector<16xi32>,
      tpu.vector_store %arg8[%swap3A_310], %select_n3A_307 {strides = array<i32>} : memref<4096xi32, #tpu.memory_space<vmem>>, vector<16xi32>,
    }
    %scan3A_88 = arith.constant 256 : i32
    %dma_start3A_89 = arith.constant 0 : i32
    %dma_start3A_90 = tpu.memref_slice %arg10[%dma_start3A_89] : memref<524416xf32, #tpu.memory_space<vmem_shared>> -> memref<524416xf32, #tpu.memory_space<vmem_shared>>
    tpu.enqueue_indirect_dma source(%arg9 : memref<4096xf32, #tpu.memory_space<vmem>>) target(%dma_start3A_90 : memref<524416xf32, #tpu.memory_space<vmem_shared>>) offsets(%arg8 : memref<4096xi32, #tpu.memory_space<vmem>>) semaphore(%arg11 : memref<!tpu.dma_semaphore, #tpu.memory_space<semaphore_mem>>)
    %dma_wait3A_91 = arith.constant 0 : i32
    %dma_wait3A_92 = tpu.memref_slice %arg10[%dma_wait3A_91] : memref<524416xf32, #tpu.memory_space<vmem_shared>> -> memref<524416xf32, #tpu.memory_space<vmem_shared>>
    tpu.wait_indirect_dma semaphore(%arg11 : memref<!tpu.dma_semaphore, #tpu.memory_space<semaphore_mem>>) src(%arg9 : memref<4096xf32, #tpu.memory_space<vmem>>) dst(%dma_wait3A_92 : memref<524416xf32, #tpu.memory_space<vmem_shared>>)
    %barrier3A_93 = arith.constant 0 : index
    tpu.barrier barrier_id(%barrier3A_93)
    %add3A_94 = arith.addi %mul3A_81, %multiple_of3A : i32
    %multiple_of3A_95 = tpu.assume_multiple %add3A_94, 8 : i32
    "tpu.region"() ({
      %run_scoped3A = tpu.sem_alloc : memref<!tpu.dma_semaphore, #tpu.memory_space<semaphore_mem>>
      %dma_start3A_96 = tpu.memref_slice %arg4[%multiple_of3A_95] : memref<4194304xf32, #tpu.memory_space<hbm>> -> memref<32768xf32, #tpu.memory_space<hbm>>
      %dma_start3A_97 = tpu.memref_slice %arg10[%multiple_of3A] : memref<524416xf32, #tpu.memory_space<vmem_shared>> -> memref<32768xf32, #tpu.memory_space<vmem_shared>>
      tpu.enqueue_dma source(%dma_start3A_97 : memref<32768xf32, #tpu.memory_space<vmem_shared>>) target(%dma_start3A_96 : memref<32768xf32, #tpu.memory_space<hbm>>) target_semaphore(%run_scoped3A : memref<!tpu.dma_semaphore, #tpu.memory_space<semaphore_mem>>)
      %dma_wait3A_98 = tpu.memref_slice %arg4[%multiple_of3A_95] : memref<4194304xf32, #tpu.memory_space<hbm>> -> memref<32768xf32, #tpu.memory_space<hbm>>
      %dma_wait3A_99 = tpu.memref_slice %arg10[%multiple_of3A] : memref<524416xf32, #tpu.memory_space<vmem_shared>> -> memref<32768xf32, #tpu.memory_space<vmem_shared>>
      tpu.wait_dma2 semaphore(%run_scoped3A : memref<!tpu.dma_semaphore, #tpu.memory_space<semaphore_mem>>) src(%dma_wait3A_99 : memref<32768xf32, #tpu.memory_space<vmem_shared>>) dst(%dma_wait3A_98 : memref<32768xf32, #tpu.memory_space<hbm>>)
      tpu.yield
    }) : () -> ()
    return
  }
}

module attributes {stable_mosaic.version = 14 : i64} {
  func.func @_powmask_body(%arg0: i32, %arg1: memref<2048x2048xf32, #tpu.memory_space<vmem>>, %arg2: memref<256x2048xbf16, #tpu.memory_space<vmem>>, %arg3: memref<2048x1xf32, #tpu.memory_space<vmem>>, %arg4: memref<2048x1xf32, #tpu.memory_space<vmem>>, %arg5: memref<2048x2048xbf16, #tpu.memory_space<vmem>>) attributes {dimension_semantics = [#tpu.dimension_semantics<arbitrary>], iteration_bounds = array<i64: 8>, scalar_prefetch = 0 : i64, scratch_operands = 1 : i64, tpu.core_type = #tpu.core_type<tc>, window_params = [{pipeline_mode = #tpu.pipeline_mode<synchronous>, transform_indices = @transform_0, window_bounds = array<i64: 2048, 2048>}, {transform_indices = @transform_1, window_bounds = array<i64: 256, 2048>}, {pipeline_mode = #tpu.pipeline_mode<synchronous>, transform_indices = @transform_2, window_bounds = array<i64: 2048, 1>}, {pipeline_mode = #tpu.pipeline_mode<synchronous>, transform_indices = @transform_3, window_bounds = array<i64: 2048, 1>}]} {
    %eq3A = arith.constant 0 : i32
    %eq3A_0 = arith.cmpi eq, %arg0, %eq3A : i32
    %convert_element_type3A = arith.extui %eq3A_0 : i1 to i32
    %cond3A = arith.constant 0 : i32
    %cond3A_1 = arith.cmpi ne, %convert_element_type3A, %cond3A : i32
    scf.if %cond3A_1 {
      %get3A_28 = arith.constant 0 : index
      %get3A_29 = arith.constant 0 : index
      %get3A_30 = vector.load %arg1[%get3A_28, %get3A_29] : memref<2048x2048xf32, #tpu.memory_space<vmem>>, vector<2048x2048xf32>
      %convert_element_type3A_31 = arith.truncf %get3A_30 : vector<2048x2048xf32> to vector<2048x2048xbf16>
      %swap3A_32 = arith.constant 0 : index
      %swap3A_33 = arith.constant 0 : index
      %swap3A_34 = vector.load %arg5[%swap3A_32, %swap3A_33] : memref<2048x2048xbf16, #tpu.memory_space<vmem>>, vector<2048x2048xbf16>
      tpu.vector_store %arg5[%swap3A_32, %swap3A_33], %convert_element_type3A_31 {strides = array<i32>} : memref<2048x2048xbf16, #tpu.memory_space<vmem>>, vector<2048x2048xbf16>,
      %get3A_35 = arith.constant 0 : index
      %get3A_36 = arith.constant 0 : index
      %get3A_37 = vector.load %arg1[%get3A_35, %get3A_36] : memref<2048x2048xf32, #tpu.memory_space<vmem>>, vector<2048x2048xf32>
      %broadcast_in_dim3A_38 = arith.constant 1.000000e+00 : f32
      %broadcast_in_dim3A_39 = vector.broadcast %broadcast_in_dim3A_38 : f32 to vector<2048x1xf32>
      %dot_general3A_40 = arith.constant dense<0.000000e+00> : vector<2048x1xf32>
      %dot_general3A_41 = tpu.matmul %get3A_37, %broadcast_in_dim3A_39, %dot_general3A_40 {dimension_numbers = #tpu.dot_dimension_numbers<[0], [0], [1], [1], [0, 1, 1, 1], [], []>, transpose_lhs_hint = false} : vector<2048x2048xf32>, vector<2048x1xf32>, vector<2048x1xf32> -> vector<2048x1xf32>
      %swap3A_42 = arith.constant 0 : index
      %swap3A_43 = arith.constant 0 : index
      %swap3A_44 = vector.load %arg3[%swap3A_42, %swap3A_43] : memref<2048x1xf32, #tpu.memory_space<vmem>>, vector<2048x1xf32>
      tpu.vector_store %arg3[%swap3A_42, %swap3A_43], %dot_general3A_41 {strides = array<i32>} : memref<2048x1xf32, #tpu.memory_space<vmem>>, vector<2048x1xf32>,
    } else {
    }
    %mul3A = arith.constant 256 : i32
    %mul3A_2 = arith.muli %arg0, %mul3A : i32
    %get3A = arith.index_cast %mul3A_2 : i32 to index
    %get3A_3 = arith.constant 0 : index
    %get3A_4 = vector.load %arg5[%get3A, %get3A_3] : memref<2048x2048xbf16, #tpu.memory_space<vmem>>, vector<256x2048xbf16>
    %get3A_5 = arith.constant 0 : index
    %get3A_6 = arith.constant 0 : index
    %get3A_7 = vector.load %arg5[%get3A_5, %get3A_6] : memref<2048x2048xbf16, #tpu.memory_space<vmem>>, vector<2048x2048xbf16>
    %dot_general3A = arith.constant dense<0.000000e+00> : vector<256x2048xf32>
    %dot_general3A_8 = tpu.matmul %get3A_4, %get3A_7, %dot_general3A {dimension_numbers = #tpu.dot_dimension_numbers<[1], [0], [0], [1], [0, 0, 1, 1], [], []>, transpose_lhs_hint = false} : vector<256x2048xbf16>, vector<2048x2048xbf16>, vector<256x2048xf32> -> vector<256x2048xf32>
    %gt3A = arith.constant 0.000000e+00 : f32
    %gt3A_9 = vector.broadcast %gt3A : f32 to vector<256x2048xf32>
    %gt3A_10 = arith.cmpf ogt, %dot_general3A_8, %gt3A_9 : vector<256x2048xf32>
    %convert_element_type3A_11 = arith.extui %gt3A_10 : vector<256x2048xi1> to vector<256x2048xi32>
    %convert_element_type3A_12 = arith.sitofp %convert_element_type3A_11 : vector<256x2048xi32> to vector<256x2048xf32>
    %convert_element_type3A_13 = arith.truncf %convert_element_type3A_12 : vector<256x2048xf32> to vector<256x2048xbf16>
    %swap3A = arith.constant 0 : index
    %swap3A_14 = arith.constant 0 : index
    %swap3A_15 = vector.load %arg2[%swap3A, %swap3A_14] : memref<256x2048xbf16, #tpu.memory_space<vmem>>, vector<256x2048xbf16>
    tpu.vector_store %arg2[%swap3A, %swap3A_14], %convert_element_type3A_13 {strides = array<i32>} : memref<256x2048xbf16, #tpu.memory_space<vmem>>, vector<256x2048xbf16>,
    %broadcast_in_dim3A = arith.constant 1.000000e+00 : f32
    %broadcast_in_dim3A_16 = vector.broadcast %broadcast_in_dim3A : f32 to vector<256x1xf32>
    %dot_general3A_17 = arith.constant dense<0.000000e+00> : vector<2048x1xf32>
    %dot_general3A_18 = tpu.matmul %convert_element_type3A_12, %broadcast_in_dim3A_16, %dot_general3A_17 {dimension_numbers = #tpu.dot_dimension_numbers<[0], [0], [1], [1], [0, 1, 1, 1], [], []>, transpose_lhs_hint = false} : vector<256x2048xf32>, vector<256x1xf32>, vector<2048x1xf32> -> vector<2048x1xf32>
    %eq3A_19 = arith.constant 0 : i32
    %eq3A_20 = arith.cmpi eq, %arg0, %eq3A_19 : i32
    %convert_element_type3A_21 = arith.extui %eq3A_20 : i1 to i32
    %cond3A_22 = arith.constant 0 : i32
    %cond3A_23 = arith.cmpi ne, %convert_element_type3A_21, %cond3A_22 : i32
    scf.if %cond3A_23 {
      %swap3A_28 = arith.constant 0 : index
      %swap3A_29 = arith.constant 0 : index
      %swap3A_30 = vector.load %arg4[%swap3A_28, %swap3A_29] : memref<2048x1xf32, #tpu.memory_space<vmem>>, vector<2048x1xf32>
      tpu.vector_store %arg4[%swap3A_28, %swap3A_29], %dot_general3A_18 {strides = array<i32>} : memref<2048x1xf32, #tpu.memory_space<vmem>>, vector<2048x1xf32>,
    } else {
    }
    %ne3A = arith.constant 0 : i32
    %ne3A_24 = arith.cmpi ne, %arg0, %ne3A : i32
    %convert_element_type3A_25 = arith.extui %ne3A_24 : i1 to i32
    %cond3A_26 = arith.constant 0 : i32
    %cond3A_27 = arith.cmpi ne, %convert_element_type3A_25, %cond3A_26 : i32
    scf.if %cond3A_27 {
      %get3A_28 = arith.constant 0 : index
      %get3A_29 = arith.constant 0 : index
      %get3A_30 = vector.load %arg4[%get3A_28, %get3A_29] : memref<2048x1xf32, #tpu.memory_space<vmem>>, vector<2048x1xf32>
      %add3A = arith.addf %get3A_30, %dot_general3A_18 : vector<2048x1xf32>
      %swap3A_31 = arith.constant 0 : index
      %swap3A_32 = arith.constant 0 : index
      %swap3A_33 = vector.load %arg4[%swap3A_31, %swap3A_32] : memref<2048x1xf32, #tpu.memory_space<vmem>>, vector<2048x1xf32>
      tpu.vector_store %arg4[%swap3A_31, %swap3A_32], %add3A {strides = array<i32>} : memref<2048x1xf32, #tpu.memory_space<vmem>>, vector<2048x1xf32>,
    } else {
    }
    return
  }
  func.func @transform_0(%arg0: i32) -> (i32, i32) {
    %c0_i32 = arith.constant 0 : i32
    %c0_i32_0 = arith.constant 0 : i32
    %c0_i32_1 = arith.constant 0 : i32
    return %c0_i32, %c0_i32_0 : i32, i32
  }
  func.func @transform_1(%arg0: i32) -> (i32, i32) {
    %c0_i32 = arith.constant 0 : i32
    %c0_i32_0 = arith.constant 0 : i32
    return %arg0, %c0_i32 : i32, i32
  }
  func.func @transform_2(%arg0: i32) -> (i32, i32) {
    %c0_i32 = arith.constant 0 : i32
    %c0_i32_0 = arith.constant 0 : i32
    %c0_i32_1 = arith.constant 0 : i32
    return %c0_i32, %c0_i32_0 : i32, i32
  }
  func.func @transform_3(%arg0: i32) -> (i32, i32) {
    %c0_i32 = arith.constant 0 : i32
    %c0_i32_0 = arith.constant 0 : i32
    %c0_i32_1 = arith.constant 0 : i32
    return %c0_i32, %c0_i32_0 : i32, i32
  }
}

module attributes {stable_mosaic.version = 14 : i64} {
  func.func @_agg_body(%arg0: i32, %arg1: memref<2048x512xf32, #tpu.memory_space<vmem>>, %arg2: memref<2048x512xbf16, #tpu.memory_space<vmem>>, %arg3: memref<2048x128xf32, #tpu.memory_space<vmem>>, %arg4: memref<128x128xf32, #tpu.memory_space<vmem>>, %arg5: memref<1x128xf32, #tpu.memory_space<vmem>>, %arg6: memref<2xf32, #tpu.memory_space<smem>>, %arg7: memref<2048x1xf32, #tpu.memory_space<vmem>>, %arg8: memref<2048x1xf32, #tpu.memory_space<vmem>>, %arg9: memref<512x128xf32, #tpu.memory_space<vmem>>) attributes {dimension_semantics = [#tpu.dimension_semantics<arbitrary>], iteration_bounds = array<i64: 4>, scalar_prefetch = 0 : i64, scratch_operands = 0 : i64, tpu.core_type = #tpu.core_type<tc>, window_params = [{transform_indices = @transform_0, window_bounds = array<i64: 2048, 512>}, {transform_indices = @transform_1, window_bounds = array<i64: 2048, 512>}, {pipeline_mode = #tpu.pipeline_mode<synchronous>, transform_indices = @transform_2, window_bounds = array<i64: 2048, 128>}, {pipeline_mode = #tpu.pipeline_mode<synchronous>, transform_indices = @transform_3, window_bounds = array<i64: 128, 128>}, {pipeline_mode = #tpu.pipeline_mode<synchronous>, transform_indices = @transform_4, window_bounds = array<i64: 1, 128>}, {transform_indices = @transform_5, window_bounds = array<i64: 2>}, {pipeline_mode = #tpu.pipeline_mode<synchronous>, transform_indices = @transform_6, window_bounds = array<i64: 2048, 1>}, {pipeline_mode = #tpu.pipeline_mode<synchronous>, transform_indices = @transform_7, window_bounds = array<i64: 2048, 1>}, {transform_indices = @transform_8, window_bounds = array<i64: 512, 128>}]} {
    %get3A = arith.constant 0 : index
    %get3A_0 = memref.load %arg6[%get3A] : memref<2xf32, #tpu.memory_space<smem>>
    %get3A_1 = arith.constant 1 : index
    %get3A_2 = memref.load %arg6[%get3A_1] : memref<2xf32, #tpu.memory_space<smem>>
    %get3A_3 = arith.constant 0 : index
    %get3A_4 = arith.constant 0 : index
    %get3A_5 = vector.load %arg3[%get3A_3, %get3A_4] : memref<2048x128xf32, #tpu.memory_space<vmem>>, vector<2048x128xf32>
    %get3A_6 = arith.constant 0 : index
    %get3A_7 = arith.constant 0 : index
    %get3A_8 = vector.load %arg4[%get3A_6, %get3A_7] : memref<128x128xf32, #tpu.memory_space<vmem>>, vector<128x128xf32>
    %dot_general3A = arith.constant dense<0.000000e+00> : vector<2048x128xf32>
    %dot_general3A_9 = tpu.matmul %get3A_5, %get3A_8, %dot_general3A {dimension_numbers = #tpu.dot_dimension_numbers<[1], [0], [0], [1], [0, 0, 1, 1], [], []>, transpose_lhs_hint = false} : vector<2048x128xf32>, vector<128x128xf32>, vector<2048x128xf32> -> vector<2048x128xf32>
    %get3A_10 = arith.constant 0 : index
    %get3A_11 = arith.constant 0 : index
    %get3A_12 = vector.load %arg7[%get3A_10, %get3A_11] : memref<2048x1xf32, #tpu.memory_space<vmem>>, vector<2048x1xf32>
    %add3A = arith.constant 1.000000e+00 : f32
    %add3A_13 = vector.broadcast %add3A : f32 to vector<2048x1xf32>
    %add3A_14 = arith.addf %get3A_12, %add3A_13 : vector<2048x1xf32>
    %rsqrt3A = math.rsqrt %add3A_14 : vector<2048x1xf32>
    %get3A_15 = arith.constant 0 : index
    %get3A_16 = arith.constant 0 : index
    %get3A_17 = vector.load %arg8[%get3A_15, %get3A_16] : memref<2048x1xf32, #tpu.memory_space<vmem>>, vector<2048x1xf32>
    %add3A_18 = arith.constant 1.000000e+00 : f32
    %add3A_19 = vector.broadcast %add3A_18 : f32 to vector<2048x1xf32>
    %add3A_20 = arith.addf %get3A_17, %add3A_19 : vector<2048x1xf32>
    %rsqrt3A_21 = math.rsqrt %add3A_20 : vector<2048x1xf32>
    %mul3A = vector.broadcast %get3A_0 : f32 to vector<2048x1xf32>
    %mul3A_22 = arith.mulf %mul3A, %rsqrt3A : vector<2048x1xf32>
    %mul3A_23 = vector.broadcast %mul3A_22 : vector<2048x1xf32> to vector<2048x128xf32>
    %mul3A_24 = arith.mulf %mul3A_23, %dot_general3A_9 : vector<2048x128xf32>
    %mul3A_25 = vector.broadcast %get3A_2 : f32 to vector<2048x1xf32>
    %mul3A_26 = arith.mulf %mul3A_25, %rsqrt3A_21 : vector<2048x1xf32>
    %mul3A_27 = vector.broadcast %mul3A_26 : vector<2048x1xf32> to vector<2048x128xf32>
    %mul3A_28 = arith.mulf %mul3A_27, %dot_general3A_9 : vector<2048x128xf32>
    %get3A_29 = arith.constant 0 : index
    %get3A_30 = arith.constant 0 : index
    %get3A_31 = vector.load %arg1[%get3A_29, %get3A_30] : memref<2048x512xf32, #tpu.memory_space<vmem>>, vector<2048x512xf32>
    %dot_general3A_32 = arith.constant dense<0.000000e+00> : vector<512x128xf32>
    %dot_general3A_33 = tpu.matmul %get3A_31, %mul3A_24, %dot_general3A_32 {dimension_numbers = #tpu.dot_dimension_numbers<[0], [0], [1], [1], [0, 1, 1, 1], [], []>, transpose_lhs_hint = false} : vector<2048x512xf32>, vector<2048x128xf32>, vector<512x128xf32> -> vector<512x128xf32>
    %get3A_34 = arith.constant 0 : index
    %get3A_35 = arith.constant 0 : index
    %get3A_36 = vector.load %arg2[%get3A_34, %get3A_35] : memref<2048x512xbf16, #tpu.memory_space<vmem>>, vector<2048x512xbf16>
    %convert_element_type3A = arith.extf %get3A_36 : vector<2048x512xbf16> to vector<2048x512xf32>
    %dot_general3A_37 = arith.constant dense<0.000000e+00> : vector<512x128xf32>
    %dot_general3A_38 = tpu.matmul %convert_element_type3A, %mul3A_28, %dot_general3A_37 {dimension_numbers = #tpu.dot_dimension_numbers<[0], [0], [1], [1], [0, 1, 1, 1], [], []>, transpose_lhs_hint = false} : vector<2048x512xf32>, vector<2048x128xf32>, vector<512x128xf32> -> vector<512x128xf32>
    %mul3A_39 = arith.constant 512 : i32
    %mul3A_40 = arith.muli %arg0, %mul3A_39 : i32
    %get3A_41 = arith.index_cast %mul3A_40 : i32 to index
    %get3A_42 = arith.constant 0 : index
    %get3A_43 = vector.load %arg7[%get3A_41, %get3A_42] : memref<2048x1xf32, #tpu.memory_space<vmem>>, vector<512x1xf32>
    %add3A_44 = arith.constant 1.000000e+00 : f32
    %add3A_45 = vector.broadcast %add3A_44 : f32 to vector<512x1xf32>
    %add3A_46 = arith.addf %get3A_43, %add3A_45 : vector<512x1xf32>
    %rsqrt3A_47 = math.rsqrt %add3A_46 : vector<512x1xf32>
    %mul3A_48 = arith.constant 512 : i32
    %mul3A_49 = arith.muli %arg0, %mul3A_48 : i32
    %get3A_50 = arith.index_cast %mul3A_49 : i32 to index
    %get3A_51 = arith.constant 0 : index
    %get3A_52 = vector.load %arg8[%get3A_50, %get3A_51] : memref<2048x1xf32, #tpu.memory_space<vmem>>, vector<512x1xf32>
    %add3A_53 = arith.constant 1.000000e+00 : f32
    %add3A_54 = vector.broadcast %add3A_53 : f32 to vector<512x1xf32>
    %add3A_55 = arith.addf %get3A_52, %add3A_54 : vector<512x1xf32>
    %rsqrt3A_56 = math.rsqrt %add3A_55 : vector<512x1xf32>
    %mul3A_57 = arith.constant 512 : i32
    %mul3A_58 = arith.muli %arg0, %mul3A_57 : i32
    %get3A_59 = arith.index_cast %mul3A_58 : i32 to index
    %get3A_60 = arith.constant 0 : index
    %get3A_61 = vector.load %arg3[%get3A_59, %get3A_60] : memref<2048x128xf32, #tpu.memory_space<vmem>>, vector<512x128xf32>
    %get3A_62 = arith.constant 0 : index
    %get3A_63 = arith.constant 0 : index
    %get3A_64 = vector.load %arg4[%get3A_62, %get3A_63] : memref<128x128xf32, #tpu.memory_space<vmem>>, vector<128x128xf32>
    %dot_general3A_65 = arith.constant dense<0.000000e+00> : vector<512x128xf32>
    %dot_general3A_66 = tpu.matmul %get3A_61, %get3A_64, %dot_general3A_65 {dimension_numbers = #tpu.dot_dimension_numbers<[1], [0], [0], [1], [0, 0, 1, 1], [], []>, transpose_lhs_hint = false} : vector<512x128xf32>, vector<128x128xf32>, vector<512x128xf32> -> vector<512x128xf32>
    %mul3A_67 = vector.broadcast %get3A_0 : f32 to vector<512x1xf32>
    %mul3A_68 = arith.mulf %mul3A_67, %rsqrt3A_47 : vector<512x1xf32>
    %mul3A_69 = vector.broadcast %mul3A_68 : vector<512x1xf32> to vector<512x128xf32>
    %mul3A_70 = arith.mulf %mul3A_69, %dot_general3A_66 : vector<512x128xf32>
    %add3A_71 = arith.addf %dot_general3A_33, %mul3A_70 : vector<512x128xf32>
    %mul3A_72 = vector.broadcast %rsqrt3A_47 : vector<512x1xf32> to vector<512x128xf32>
    %mul3A_73 = arith.mulf %mul3A_72, %add3A_71 : vector<512x128xf32>
    %mul3A_74 = vector.broadcast %get3A_2 : f32 to vector<512x1xf32>
    %mul3A_75 = arith.mulf %mul3A_74, %rsqrt3A_56 : vector<512x1xf32>
    %mul3A_76 = vector.broadcast %mul3A_75 : vector<512x1xf32> to vector<512x128xf32>
    %mul3A_77 = arith.mulf %mul3A_76, %dot_general3A_66 : vector<512x128xf32>
    %add3A_78 = arith.addf %dot_general3A_38, %mul3A_77 : vector<512x128xf32>
    %mul3A_79 = vector.broadcast %rsqrt3A_56 : vector<512x1xf32> to vector<512x128xf32>
    %mul3A_80 = arith.mulf %mul3A_79, %add3A_78 : vector<512x128xf32>
    %add3A_81 = arith.addf %mul3A_73, %mul3A_80 : vector<512x128xf32>
    %add3A_82 = arith.addf %get3A_0, %get3A_2 : f32
    %get3A_83 = arith.constant 0 : index
    %get3A_84 = arith.constant 0 : index
    %get3A_85 = vector.load %arg5[%get3A_83, %get3A_84] : memref<1x128xf32, #tpu.memory_space<vmem>>, vector<1x128xf32>
    %mul3A_86 = vector.broadcast %add3A_82 : f32 to vector<1x128xf32>
    %mul3A_87 = arith.mulf %mul3A_86, %get3A_85 : vector<1x128xf32>
    %add3A_88 = vector.broadcast %mul3A_87 : vector<1x128xf32> to vector<512x128xf32>
    %add3A_89 = arith.addf %add3A_81, %add3A_88 : vector<512x128xf32>
    %swap3A = arith.constant 0 : index
    %swap3A_90 = arith.constant 0 : index
    %swap3A_91 = vector.load %arg9[%swap3A, %swap3A_90] : memref<512x128xf32, #tpu.memory_space<vmem>>, vector<512x128xf32>
    tpu.vector_store %arg9[%swap3A, %swap3A_90], %add3A_89 {strides = array<i32>} : memref<512x128xf32, #tpu.memory_space<vmem>>, vector<512x128xf32>,
    return
  }
  func.func @transform_0(%arg0: i32) -> (i32, i32) {
    %c0_i32 = arith.constant 0 : i32
    %c0_i32_0 = arith.constant 0 : i32
    return %c0_i32, %arg0 : i32, i32
  }
  func.func @transform_1(%arg0: i32) -> (i32, i32) {
    %c0_i32 = arith.constant 0 : i32
    %c0_i32_0 = arith.constant 0 : i32
    return %c0_i32, %arg0 : i32, i32
  }
  func.func @transform_2(%arg0: i32) -> (i32, i32) {
    %c0_i32 = arith.constant 0 : i32
    %c0_i32_0 = arith.constant 0 : i32
    %c0_i32_1 = arith.constant 0 : i32
    return %c0_i32, %c0_i32_0 : i32, i32
  }
  func.func @transform_3(%arg0: i32) -> (i32, i32) {
    %c0_i32 = arith.constant 0 : i32
    %c0_i32_0 = arith.constant 0 : i32
    %c0_i32_1 = arith.constant 0 : i32
    return %c0_i32, %c0_i32_0 : i32, i32
  }
  func.func @transform_4(%arg0: i32) -> (i32, i32) {
    %c0_i32 = arith.constant 0 : i32
    %c0_i32_0 = arith.constant 0 : i32
    %c0_i32_1 = arith.constant 0 : i32
    return %c0_i32, %c0_i32_0 : i32, i32
  }
  func.func @transform_5(%arg0: i32) -> i32 {
    %c0_i32 = arith.constant 0 : i32
    %c0_i32_0 = arith.constant 0 : i32
    return %c0_i32 : i32
  }
  func.func @transform_6(%arg0: i32) -> (i32, i32) {
    %c0_i32 = arith.constant 0 : i32
    %c0_i32_0 = arith.constant 0 : i32
    %c0_i32_1 = arith.constant 0 : i32
    return %c0_i32, %c0_i32_0 : i32, i32
  }
  func.func @transform_7(%arg0: i32) -> (i32, i32) {
    %c0_i32 = arith.constant 0 : i32
    %c0_i32_0 = arith.constant 0 : i32
    %c0_i32_1 = arith.constant 0 : i32
    return %c0_i32, %c0_i32_0 : i32, i32
  }
  func.func @transform_8(%arg0: i32) -> (i32, i32) {
    %c0_i32 = arith.constant 0 : i32
    %c0_i32_0 = arith.constant 0 : i32
    return %arg0, %c0_i32 : i32, i32
  }
}

</mosaic_0001>

<sc_bundles>
// kernel: kernel.5.cloned.1.call-start
scs
__scs_entry_jumppad:
0x0: {  	(pc) =	sbr.rel $0x88, $3  }
0x1: {  	(tag) =	ssettag $0x0;
	lr =	simm.s32 $0x1  }
0x2: {  	[smem:$0x3F9C] =	sst lr;
	_ =	strace $0xD0000000  }
0x3: {  	_ = 	snop  }
0x4: {  	_ = 	snop  }
0x5: {  	_ = 	snop  }
0x6: {  	_ = 	snop  }
0x7: {  	_ = 	snop  }
__scs_overlays_trampoline_lowered:
0x8: {  	[smem:$0x3FAB] =	sst s0  }
0x9: {  	[smem:$0x3FAC] =	sst s1  }
0xa: {  	[smem:$0x3FAD] =	sst s2  }
0xb: {  	[smem:$0x3FAE] =	sst s3  }
0xc: {  	[smem:$0x3FAF] =	sst s4  }
0xd: {  	[smem:$0x3FB0] =	sst s5  }
0xe: {  	[smem:$0x3FB1] =	sst s6  }
0xf: {  	[smem:$0x3FB2] =	sst s7  }
0x10: {  	[smem:$0x3FB3] =	sst s8  }
0x11: {  	[smem:$0x3FB4] =	sst s9;
	s0 =	simm.s32 @!p0 $0x0  }
0x12: {  	s1 =	sld [smem:$0x3F9A];
	s0 =	simm.s32 @p0 $0x1  }
0x13: {  	[smem:$0x3FB5] =	sst s0;
	s0 =	simm.s32 @!p1 $0x0  }
0x14: {  	s2 =	sld [smem:$0x3F99];
	s0 =	simm.s32 @p1 $0x1  }
0x15: {  	[smem:$0x3FB6] =	sst s0;
	s0 =	simm.s32 @!p2 $0x0  }
0x16: {  	s3 =	sld [smem:$0x3FDB];
	s0 =	simm.s32 @p2 $0x1  }
0x17: {  	s4 =	simm.s32 $0x1BF5;
	[smem:$0x3FB8] =	sst s0  }
0x18: {  	s0 =	sld [smem:$0x3F9B];
	_ =	swait.ge [sflag:s4], $0x0  }
0x19: {  	s7 =	sld [smem:$0x3F9C]  }
0x1a: {  	s8 =	sadd.s32 $0xFFFFE003, lr  }
0x1b: {  	s9 =	sadd.s32 $0xFFFFFEF7, lr;
	s5 =	simm.s32 $0xFFFFFFFF;
	p2 =	slt.u32 s8, $0xFFFFF086  }
0x1c: {  	p1 =	slt.u32 s9, $0xF7A;
	s5 =	simm.s32 @!p2 $0x0  }
0x1d: {  	s5 =	simm.s32 @p1 $0x1;
	p0 =	seq.s32 s7, s2  }
0x1e: {  	s7 =	smul.u32 @!p0 $0xF7A, s2;
	p2 =	seq.s32 @!p0 s5, $0x0  }
0x1f: {  	s9 =	smul.u32 $0xF7A, s1;
	s8 =	simm.s32 @!p0 $0x1BF5;
	p2 =	por !p2, p0  }
0x20: {  	[sflag:s8] =	ssyncset.s32 @!p0 $0xFFFFF086;
	s6 =	sadd.s32 @!p0 s3, s7;
	s7 =	simm.s32 @!p0 $0x108  }
0x21: {  	s3 =	sadd.s32 s3, s9;
	s6 =	sadd.s32 @!p0 $0x88, s6;
	s7 =	simm.s32 @p2 $0x1082  }
0x22: {  	[simem:s7], [sflag:s8] =	dma.local @!p0 [hbm:s6], $0xF7A  }
0x23: {  	s9 =	sor.u32 $0xD0000000, s2;
	s6 =	simm.s32 $0x108;
	_ =	swait.ge @!p0 [sflag:s8], $0x0  }
0x24: {  	s3 =	sadd.s32 $0x88, s3;
	s6 =	simm.s32 @!p1 $0x1082;
	[sflag:s4] =	ssyncset.s32 $0xFFFFF086  }
0x25: {  	[simem:s6], [sflag:s4] =	dma.local [hbm:s3], $0xF7A  }
0x26: {  	[smem:$0x3F9C] =	sst s1;
	(tag) =	ssettag s2;
	_ =	strace s9  }
0x27: {  	s1 =	sld [smem:$0x3FAC]  }
0x28: {  	s2 =	sld [smem:$0x3FAD]  }
0x29: {  	s4 =	sld [smem:$0x3FAF]  }
0x2a: {  	p0 =	seq.s32 s5, $0x0;
	s5 =	sld [smem:$0x3FB0]  }
0x2b: {  	s6 =	sld [smem:$0x3FB1]  }
0x2c: {  	s7 =	sld [smem:$0x3FB2]  }
0x2d: {  	s3 =	simm.s32 $0x108;
	s8 =	sld [smem:$0x3FB3]  }
0x2e: {  	s3 =	simm.s32 @!p0 $0x1082;
	s9 =	sld [smem:$0x3FB4]  }
0x2f: {  	lr =	sadd.s32 s0, s3;
	s0 =	sld [smem:$0x3FAB]  }
0x30: {  	s3 =	sld [smem:$0x3FAE]  }
0x31: {  	[smem:$0x3FB7] =	sst s10  }
0x32: {  	s10 =	sld [smem:$0x3FB5];
	_ =	sdelay $0x3  }
0x33: {  	p0 =	seq.s32 s10, $0x1;
	s10 =	sld [smem:$0x3FB7];
	_ =	sdelay $0x3  }
0x34: {  	[smem:$0x3FB7] =	sst s10  }
0x35: {  	s10 =	sld [smem:$0x3FB6];
	_ =	sdelay $0x3  }
0x36: {  	p1 =	seq.s32 s10, $0x1;
	s10 =	sld [smem:$0x3FB7];
	_ =	sdelay $0x3  }
0x37: {  	[smem:$0x3FB7] =	sst s10  }
0x38: {  	s10 =	sld [smem:$0x3FB8]  }
0x39: {  	_ = 	snop;
	(pc) =	sbr.ind lr, $3  }
0x3a: {  	_ = 	snop  }
0x3b: {  	_ = 	snop  }
0x3c: {  	p2 =	seq.s32 s10, $0x1;
	s10 =	sld [smem:$0x3FB7]  }
0x3d: {  	_ =	shalt  }
0x3e: {  	_ =	shalt  }
0x3f: {  	_ =	shalt  }
0x40: {  	_ =	shalt  }
0x41: {  	_ =	shalt  }
0x42: {  	_ =	shalt  }
0x43: {  	_ =	shalt  }
0x44: {  	_ =	shalt  }
0x45: {  	_ =	shalt  }
0x46: {  	_ =	shalt  }
0x47: {  	_ =	shalt  }
0x48: {  	_ =	shalt  }
0x49: {  	_ =	shalt  }
0x4a: {  	_ =	shalt  }
0x4b: {  	_ =	shalt  }
0x4c: {  	_ =	shalt  }
0x4d: {  	_ =	shalt  }
0x4e: {  	_ =	shalt  }
0x4f: {  	_ =	shalt  }
0x50: {  	_ =	shalt  }
0x51: {  	_ =	shalt  }
0x52: {  	_ =	shalt  }
0x53: {  	_ =	shalt  }
0x54: {  	_ =	shalt  }
0x55: {  	_ =	shalt  }
0x56: {  	_ =	shalt  }
0x57: {  	_ =	shalt  }
0x58: {  	_ =	shalt  }
0x59: {  	_ =	shalt  }
0x5a: {  	_ =	shalt  }
0x5b: {  	_ =	shalt  }
0x5c: {  	_ =	shalt  }
0x5d: {  	_ =	shalt  }
0x5e: {  	_ =	shalt  }
0x5f: {  	_ =	shalt  }
0x60: {  	_ =	shalt  }
0x61: {  	_ =	shalt  }
0x62: {  	_ =	shalt  }
0x63: {  	_ =	shalt  }
0x64: {  	_ =	shalt  }
0x65: {  	_ =	shalt  }
0x66: {  	_ =	shalt  }
0x67: {  	_ =	shalt  }
0x68: {  	_ =	shalt  }
0x69: {  	_ =	shalt  }
0x6a: {  	_ =	shalt  }
0x6b: {  	_ =	shalt  }
0x6c: {  	_ =	shalt  }
0x6d: {  	_ =	shalt  }
0x6e: {  	_ =	shalt  }
0x6f: {  	_ =	shalt  }
0x70: {  	_ =	shalt  }
0x71: {  	_ =	shalt  }
0x72: {  	_ =	shalt  }
0x73: {  	_ =	shalt  }
0x74: {  	_ =	shalt  }
0x75: {  	_ =	shalt  }
0x76: {  	_ =	shalt  }
0x77: {  	_ =	shalt  }
0x78: {  	_ =	shalt  }
0x79: {  	_ =	shalt  }
0x7a: {  	_ =	shalt  }
0x7b: {  	_ =	shalt  }
0x7c: {  	_ =	shalt  }
0x7d: {  	_ =	shalt  }
0x7e: {  	_ =	shalt  }
0x7f: {  	_ =	shalt  }
0x80: {  	_ =	shalt  }
0x81: {  	_ =	shalt  }
0x82: {  	_ =	shalt  }
0x83: {  	_ =	shalt  }
0x84: {  	_ =	shalt  }
0x85: {  	_ =	shalt  }
0x86: {  	_ =	shalt  }
0x87: {  	_ =	shalt  }
.Lfunc_end0:
.L_simem_size_0:
called_computation_lowered:
.L_overlay_start_0:
0x88: {  	s2 =	sld [smem:$0x3FD9]  }
0x89: {  	s3 =	sld [smem:$0x3FFE];
	_ =	sdelay $0x1  }
0x8a: {  	s1 =	srdreg.scid  }
0x8b: {  	s0 =	sand.u32 $0x1, s1  }
0x8c: {  	s17 =	sshll.u32 s0, $0xA;
	s2 =	sadd.s32 s3, s2  }
0x8d: {  	s2 =	sadd.s32 s2, s17  }
0x8e: {  	[smem:$0x3FC3] =	sst s2  }
0x8f: {  	_ = 	snop  }
0x90: {  	s2 =	sld [smem:$0x3FD0];
	(tm) =	ssettm $0x1  }
0x91: {  	s18 =	sld [smem:$0x3FFB];
	_ =	sdelay $0x3  }
0x92: {  	_ =	strace s18  }
0x93: {  	s3 =	sld [smem:$0x3FFC];
	_ =	sdelay $0x3  }
0x94: {  	_ =	strace s3  }
0x95: {  	s3 =	sld [smem:$0x3FFD];
	_ =	sdelay $0x3  }
0x96: {  	_ =	strace s3  }
0x97: {  	_ =	strace $0x8FFFFFFF  }
0x98: {  	s19 =	sld [smem:$0x3FDB];
	_ =	sdelay $0x1  }
0x99: {  	s4 =	simm.s32 $_scs_section_size  }
0x9a: {  	s5 =	simm.s32 $_size__tile_overlayer_lowered;
	s6 =	simm.s32 $_tile_overlayer_lowered  }
0x9b: {  	s22 =	simm.s32 $0x1BFF;
	s21 =	sshll.u32 s6, $0x1;
	s3 =	sadd.s32 s4, s19  }
0x9c: {  	s7 =	simm.s32 $0x0;
	s20 =	sshll.u32 s5, $0x1;
	s5 =	sadd.s32 s21, s3  }
0x9d: {  	[timem:s7], [sflag:s22] =	dma.local [hbm:s5], s20  }
0x9e: {  	_ =	swait.ge [sflag:s22], s20  }
0x9f: {  	s4 =	ssub.s32 $0x0, s20;
	[sflag:s22] =	ssyncset.done $0x0  }
0xa0: {  	[sflag:s22] =	ssyncadd.s32 s4;
	_ =	sdelay $0x1  }
0xa1: {  	s23 =	simm.s32 $0x1B8B  }
0xa2: {  	_ =	swait.ge [sflag:s23], $0x1  }
0xa3: {  	[sflag:s23] =	ssyncset.done $0x0  }
0xa4: {  	s25 =	simm.s32 $0x1B8E;
	s24 =	sld [smem:$0x3FFE];
	[sflag:s23] =	ssyncadd.s32 $0xFFFFFFFF  }
0xa5: {  	s26 =	simm.s32 $execute0_lowered;
	[smem:$0x3FD2] =	sst s25  }
0xa6: {  	s5 =	sshll.u32 s26, $0x1;
	_ =	strace $0x80000046;
	[dreg:$0x1] =	wrdreg $0xFFFFFFFF  }
0xa7: {  	s28 =	simm.s32 $_size_execute0_lowered;
	s3 =	sadd.s32 s3, s5;
	[dreg:$0x0] =	wrdreg $0x0  }
0xa8: {  	s5 =	sshll.u32 s28, $0x1;
	[dreg:$0x2] =	wrdreg s3  }
0xa9: {  	[dreg:$0x3] =	wrdreg s5  }
0xaa: {  	[dreg:$0x4] =	wrdreg $0xC0  }
0xab: {  	_ =	task [dreg:s7], $0x5FFFF  }
0xac: {  	[dreg:$0x1] =	wrdreg $0xFFFFFFFF  }
0xad: {  	[dreg:$0x0] =	wrdreg $0x60  }
0xae: {  	[dreg:$0x2] =	wrdreg s24  }
0xaf: {  	[dreg:$0x3] =	wrdreg s2  }
0xb0: {  	[dreg:$0x4] =	wrdreg $0xC0000  }
0xb1: {  	[dreg:$0x5] =	wrdreg $0x9  }
0xb2: {  	_ =	task.clear_ibuf [dreg:s7], $0x6FFFF;
	_ =	strace $0x90000046  }
0xb3: {  	s29 =	simm.s32 $0x9;
	_ =	strace $0x80000048  }
0xb4: {  	_ =	swait.ge [sflag:s29], $0x1  }
0xb5: {  	[sflag:s29] =	ssyncadd.s32 $0xFFFFFFFF  }
0xb6: {  	_ =	strace $0x90000048  }
0xb7: {  	_ =	sfence  }
0xb8: {  	s30 =	sld [smem:$0x0];
	_ =	sdelay $0x2  }
0xb9: {  	s31 =	sshll.u32 s1, $0xD;
	s1 =	sshrl.u32 s1, $0x2  }
0xba: {  	s3 =	sand.u32 $0x4000, s31;
	s1 =	sadd.s32 s1, s30  }
0xbb: {  	s0 =	sor.u32 s3, s0;
	s1 =	sshll.u32 s1, $0x11  }
0xbc: {  	s0 =	sor.u32 s1, s0  }
0xbd: {  	s0 =	sadd.s32 $0x8F2B, s0  }
0xbe: {  	[sflag:s0] =	ssyncadd.remote.s32 $0x1  }
0xbf: {  	_ =	sfence.sel $0xFFFF  }
0xc0: {  	[dreg:$0x0] =	wrdreg $0xFFFFFFFF;
	(pc) =	sbr.abs _section_cstart, $3  }
0xc1: {  	[dreg:$0x1] =	wrdreg $0xFFFFFFFF  }
0xc2: {  	_ =	task.clear_ibuf [dreg:s7], $0x2FFFF;
	_ =	strace $0x9FFFFFFF  }
0xc3: {  	(tm) =	ssettm $0x7FFFFFFF  }
tec
execute0_lowered:
.L_overlay_start_1:
0x0: {  	(tag) =	ssettag $0x1  }
0x1: {  	s4 =	rddreg [dreg:$0x0]  }
0x2: {  	s5 =	rddreg [dreg:$0x1]  }
0x3: {  	s2 =	rddreg [dreg:$0x2]  }
0x4: {  	s0 =	rddreg [dreg:$0x3];
	s3 =	simm.s32 $0x0;
	s1 =	stileid.u32  }
0x5: {  	s7 =	srdreg.scid;
	s16 =	simm.s32 $0xA000;
	s17 =	simm.s32 $0xB000  }
0x6: {  	s18 =	simm.s32 $0x1;
	s19 =	simm.s32 $0x0;
	[smem:$0x7FF] =	sst s3  }
0x7: {  	s6 =	sshll.u32 s1, $0x9;
	s7 =	sand.u32 $0x1, s7;
	s10 =	sshll.u32 s1, $0xF  }
0x8: {  	s12 =	sadd.s32 $0x3000, s4;
	_ =	strace $0x80000047;
	s8 =	sadd.s32 s6, s4  }
0x9: {  	s9 =	ssub.s32 $0x2, s7;
	s11 =	sshll.u32 s7, $0x15;
	s5 =	sadd.s32 s5, s6  }
0xa: {  	s6 =	sadd.s32 s10, s2;
	s26 =	sshrl.u32 s9, $0x1;
	s7 =	sor.u32 s10, s11  }
0xb: {  	s4 =	sadd.s32 $0x1000, s8;
	s28 =	sor.u32 $0x80000, s11;
	s29 =	sor.u32 $0x100000, s11  }
0xc: {  	v0 =	vmov s11;
	s11 =	sor.u32 $0x180000, s11;
	s13 =	ssub.s32 s9, s26;
	s7 =	sshrl.u32 s7, $0x3  }
0xd: {  	v6 =	vlaneseq.u32;
	v4 =	vimm.f32 $1.000000000e+00;
	v5 =	vimm.f32 $0.0e+00;
	s14 =	sor.u32 s10, s28;
	s15 =	sor.u32 s10, s29;
	s10 =	sor.u32 s10, s11  }
0xe: {  	v0 =	vsub.s32 $0x0, v0;
	v1 =	vmov s28;
	v2 =	vmov s29;
	s7 =	sadd.s32 s12, s7;
	s30 =	sshrl.u32 s14, $0x3;
	s31 =	sshrl.u32 s15, $0x3  }
0xf: {  	v3 =	vmov s11;
	v0 =	vbroadcast v0, $0x0;
	s10 =	sshrl.u32 s10, $0x3;
	v1 =	vsub.s32 $0x0, v1;
	s11 =	smax.u32 s13, $0x1;
	s13 =	simm.s32 $0x2  }
0x10: {  	v2 =	vsub.s32 $0x0, v2;
	v3 =	vsub.s32 $0x0, v3;
	s14 =	simm.s32 $0x9000;
	s15 =	simm.s32 $0x1000;
	s8 =	sadd.s32 s12, s30;
	v1 =	vbroadcast v1, $0x0  }
0x11: {  	v6 =	vor.u32 $0x80000, v6;
	s9 =	sadd.s32 s12, s31;
	s10 =	sadd.s32 s12, s10;
	s12 =	simm.s32 $0x8000;
	v2 =	vbroadcast v2, $0x0;
	v3 =	vbroadcast v3, $0x0  }
.LBB2_1:
0x12: {  	[tilespmem:s12], [sflag:$0x2] =	stream.linear.gather [hbm4b:s4+s3], $0x1000, $0x38;
	[tilespmem:$0x14008] =	vst v63  }
0x13: {  	_ =	swait.ge [sflag:s13], $0x1000  }
0x14: {  	[sflag:s13] =	ssyncset.done $0x0  }
0x15: {  	[sflag:s13] =	ssyncadd.s32 $0xFFFFF000  }
0x16: {  	[tilespmem:s14], [sflag:$0x2] =	stream.linear.gather [hbm4b:s5+s3], $0x1000, $0x38;
	[tilespmem:$0x14008] =	vst v63  }
0x17: {  	_ =	swait.ge [sflag:s13], $0x1000  }
0x18: {  	[sflag:s13] =	ssyncset.done $0x0  }
0x19: {  	s21 =	simm.s32 $0xB040;
	[sflag:s13] =	ssyncadd.s32 $0xFFFFF000  }
0x1a: {  	[tilespmem:s21+$0xFFFFFFC0] =	vst v4  }
0x1b: {  	[tilespmem:s21+$0x30] =	vst v4  }
0x1c: {  	[tilespmem:s21+$0x20] =	vst v4  }
0x1d: {  	[tilespmem:s21+$0x10] =	vst v4  }
0x1e: {  	[tilespmem:s21+$0x0] =	vst v4  }
0x1f: {  	[tilespmem:s21+$0xFFFFFFF0] =	vst v4  }
0x20: {  	s22 =	simm.s32 $0x0;
	[tilespmem:s21+$0xFFFFFFE0] =	vst v4  }
.LBB2_2:
0x21: {  	s22 =	sadd.s32 $0x8, s22;
	[tilespmem:s21+$0xFFFFFFD0] =	vst v4;
	s21 =	sadd.s32 $0x80, s21;
	s20 =	simm.s32 $0x40  }
0x22: {  	[tilespmem:s21+$0xFFFFFFC0] =	vst v4;
	p0 =	slt.u32 s22, $0xF8  }
0x23: {  	[tilespmem:s21+$0x30] =	vst v4  }
.Ltmp0:
0x24: {  	[tilespmem:s21+$0x20] =	vst v4;
	(pc) =	sbr.rel @p0 .LBB2_2-.Ltmp0, $4  }
0x25: {  	[tilespmem:s21+$0x10] =	vst v4  }
0x26: {  	[tilespmem:s21+$0x0] =	vst v4  }
0x27: {  	[tilespmem:s21+$0xFFFFFFF0] =	vst v4  }
0x28: {  	[tilespmem:s21+$0xFFFFFFE0] =	vst v4  }
0x29: {  	[tilespmem:s21+$0xFFFFFFD0] =	vst v4  }
0x2a: {  	[tilespmem:s20+$0xFFFFFFC0] =	vst v5  }
0x2b: {  	[tilespmem:s20+$0x30] =	vst v5  }
0x2c: {  	[tilespmem:s20+$0x20] =	vst v5  }
0x2d: {  	[tilespmem:s20+$0x10] =	vst v5  }
0x2e: {  	[tilespmem:s20+$0x0] =	vst v5  }
0x2f: {  	[tilespmem:s20+$0xFFFFFFF0] =	vst v5  }
0x30: {  	s21 =	simm.s32 $0x0;
	[tilespmem:s20+$0xFFFFFFE0] =	vst v5  }
.LBB2_4:
0x31: {  	s21 =	sadd.s32 $0x8, s21;
	[tilespmem:s20+$0xFFFFFFD0] =	vst v5;
	s20 =	sadd.s32 $0x80, s20  }
0x32: {  	[tilespmem:s20+$0xFFFFFFC0] =	vst v5;
	p0 =	slt.u32 s21, $0x7F8  }
0x33: {  	[tilespmem:s20+$0x30] =	vst v5  }
.Ltmp1:
0x34: {  	[tilespmem:s20+$0x20] =	vst v5;
	(pc) =	sbr.rel @p0 .LBB2_4-.Ltmp1, $4  }
0x35: {  	[tilespmem:s20+$0x10] =	vst v5  }
0x36: {  	[tilespmem:s20+$0x0] =	vst v5  }
0x37: {  	[tilespmem:s20+$0xFFFFFFF0] =	vst v5  }
0x38: {  	[tilespmem:s20+$0xFFFFFFE0] =	vst v5  }
0x39: {  	[tilespmem:s20+$0xFFFFFFD0] =	vst v5  }
0x3a: {  	[spmem:s6] =	stream.linear.scatter [tilespmem:s3], [sflag:$0x2], $0x8000, $0x38;
	[tilespmem:$0x14008] =	vst v63  }
0x3b: {  	_ =	swait.ge [sflag:s13], $0x8000  }
0x3c: {  	[sflag:s13] =	ssyncset.done $0x0  }
0x3d: {  	[sflag:s13] =	ssyncadd.s32 $0xFFFF8000  }
0x3e: {  	s20 =	simm.s32 $0x8040;
	[bflag:$0x0] =	sbarrier.arrive $0xFFFF  }
0x3f: {  	s21 =	simm.s32 $0x9040;
	v7 =	vld [tilespmem:s20+$0xFFFFFFC0]  }
0x40: {  	v8 =	vld [tilespmem:s21+$0xFFFFFFC0];
	_ =	sdelay $0x4  }
0x41: {  	v7 =	vshll.u32 v7, $0xB;
	v8 =	vadd.s32 v0, v8  }
0x42: {  	v7 =	vadd.s32 v7, v8  }
0x43: {  	vm0 =	vlt.u32 v7, $0x80000  }
0x44: {  	s22 =	simm.s32 $0xA040;
	v7 =	vsel vm0, v7, v6  }
0x45: {  	[tilespmem:s22+$0xFFFFFFC0] =	vst v7  }
0x46: {  	v7 =	vld [tilespmem:s20+$0xFFFFFFD0]  }
0x47: {  	v8 =	vld [tilespmem:s21+$0xFFFFFFD0];
	_ =	sdelay $0x4  }
0x48: {  	v7 =	vshll.u32 v7, $0xB;
	v8 =	vadd.s32 v0, v8  }
0x49: {  	v7 =	vadd.s32 v7, v8  }
0x4a: {  	vm10 =	vlt.u32 v7, $0x80000  }
0x4b: {  	v7 =	vsel vm10, v7, v6  }
0x4c: {  	[tilespmem:s22+$0xFFFFFFD0] =	vst v7  }
0x4d: {  	v7 =	vld [tilespmem:s20+$0xFFFFFFE0]  }
0x4e: {  	v8 =	vld [tilespmem:s21+$0xFFFFFFE0];
	_ =	sdelay $0x4  }
0x4f: {  	v7 =	vshll.u32 v7, $0xB;
	v8 =	vadd.s32 v0, v8  }
0x50: {  	v7 =	vadd.s32 v7, v8  }
0x51: {  	vm11 =	vlt.u32 v7, $0x80000  }
0x52: {  	v7 =	vsel vm11, v7, v6  }
0x53: {  	[tilespmem:s22+$0xFFFFFFE0] =	vst v7  }
0x54: {  	v7 =	vld [tilespmem:s20+$0xFFFFFFF0]  }
0x55: {  	v8 =	vld [tilespmem:s21+$0xFFFFFFF0];
	_ =	sdelay $0x4  }
0x56: {  	v7 =	vshll.u32 v7, $0xB;
	v8 =	vadd.s32 v0, v8  }
0x57: {  	v7 =	vadd.s32 v7, v8  }
0x58: {  	vm12 =	vlt.u32 v7, $0x80000  }
0x59: {  	v7 =	vsel vm12, v7, v6  }
0x5a: {  	[tilespmem:s22+$0xFFFFFFF0] =	vst v7  }
0x5b: {  	v7 =	vld [tilespmem:s20+$0x0]  }
0x5c: {  	v8 =	vld [tilespmem:s21+$0x0];
	_ =	sdelay $0x4  }
0x5d: {  	v7 =	vshll.u32 v7, $0xB;
	v8 =	vadd.s32 v0, v8  }
0x5e: {  	v7 =	vadd.s32 v7, v8  }
0x5f: {  	vm13 =	vlt.u32 v7, $0x80000  }
0x60: {  	v7 =	vsel vm13, v7, v6  }
0x61: {  	[tilespmem:s22+$0x0] =	vst v7  }
0x62: {  	v7 =	vld [tilespmem:s20+$0x10]  }
0x63: {  	v8 =	vld [tilespmem:s21+$0x10];
	_ =	sdelay $0x4  }
0x64: {  	v7 =	vshll.u32 v7, $0xB;
	v8 =	vadd.s32 v0, v8  }
0x65: {  	v7 =	vadd.s32 v7, v8  }
0x66: {  	vm14 =	vlt.u32 v7, $0x80000  }
0x67: {  	v7 =	vsel vm14, v7, v6  }
0x68: {  	[tilespmem:s22+$0x10] =	vst v7  }
0x69: {  	v7 =	vld [tilespmem:s20+$0x20]  }
0x6a: {  	v8 =	vld [tilespmem:s21+$0x20];
	_ =	sdelay $0x4  }
0x6b: {  	v7 =	vshll.u32 v7, $0xB;
	v8 =	vadd.s32 v0, v8  }
0x6c: {  	v7 =	vadd.s32 v7, v8  }
0x6d: {  	vm15 =	vlt.u32 v7, $0x80000  }
0x6e: {  	v7 =	vsel vm15, v7, v6  }
0x6f: {  	[tilespmem:s22+$0x20] =	vst v7  }
0x70: {  	v7 =	vld [tilespmem:s20+$0x30]  }
0x71: {  	v8 =	vld [tilespmem:s21+$0x30]  }
0x72: {  	s23 =	simm.s32 $0x0;
	s24 =	simm.s32 $0xA0C0  }
.LBB2_6:
0x73: {  	s23 =	sadd.s32 $0x8, s23;
	s20 =	sadd.s32 $0x80, s20;
	s21 =	sadd.s32 $0x80, s21  }
0x74: {  	p0 =	slt.u32 s23, $0xF8  }
0x75: {  	v7 =	vshll.u32 v7, $0xB  }
0x76: {  	v8 =	vadd.s32 v0, v8  }
0x77: {  	v7 =	vadd.s32 v7, v8  }
0x78: {  	vm0 =	vlt.u32 v7, $0x80000  }
0x79: {  	v7 =	vsel vm0, v7, v6  }
0x7a: {  	[tilespmem:s22+$0x30] =	vst v7;
	s22 =	smov.u32 s24  }
0x7b: {  	v7 =	vld [tilespmem:s20+$0xFFFFFFC0]  }
0x7c: {  	v8 =	vld [tilespmem:s21+$0xFFFFFFC0];
	_ =	sdelay $0x4  }
0x7d: {  	v7 =	vshll.u32 v7, $0xB;
	v8 =	vadd.s32 v0, v8  }
0x7e: {  	v7 =	vadd.s32 v7, v8  }
0x7f: {  	vm0 =	vlt.u32 v7, $0x80000  }
0x80: {  	v7 =	vsel vm0, v7, v6  }
0x81: {  	[tilespmem:s24+$0xFFFFFFC0] =	vst v7  }
0x82: {  	v7 =	vld [tilespmem:s20+$0xFFFFFFD0]  }
0x83: {  	v8 =	vld [tilespmem:s21+$0xFFFFFFD0];
	_ =	sdelay $0x3  }
0x84: {  	v7 =	vshll.u32 v7, $0xB  }
0x85: {  	v8 =	vadd.s32 v0, v8  }
0x86: {  	v7 =	vadd.s32 v7, v8  }
0x87: {  	vm0 =	vlt.u32 v7, $0x80000  }
0x88: {  	v7 =	vsel vm0, v7, v6  }
0x89: {  	[tilespmem:s24+$0xFFFFFFD0] =	vst v7  }
0x8a: {  	v7 =	vld [tilespmem:s20+$0xFFFFFFE0]  }
0x8b: {  	v8 =	vld [tilespmem:s21+$0xFFFFFFE0];
	_ =	sdelay $0x3  }
0x8c: {  	v7 =	vshll.u32 v7, $0xB  }
0x8d: {  	v8 =	vadd.s32 v0, v8  }
0x8e: {  	v7 =	vadd.s32 v7, v8  }
0x8f: {  	vm0 =	vlt.u32 v7, $0x80000  }
0x90: {  	v7 =	vsel vm0, v7, v6  }
0x91: {  	[tilespmem:s24+$0xFFFFFFE0] =	vst v7  }
0x92: {  	v7 =	vld [tilespmem:s20+$0xFFFFFFF0]  }
0x93: {  	v8 =	vld [tilespmem:s21+$0xFFFFFFF0];
	_ =	sdelay $0x3  }
0x94: {  	v7 =	vshll.u32 v7, $0xB  }
0x95: {  	v8 =	vadd.s32 v0, v8  }
0x96: {  	v7 =	vadd.s32 v7, v8  }
0x97: {  	vm0 =	vlt.u32 v7, $0x80000  }
0x98: {  	v7 =	vsel vm0, v7, v6  }
0x99: {  	[tilespmem:s24+$0xFFFFFFF0] =	vst v7  }
0x9a: {  	v7 =	vld [tilespmem:s20+$0x0]  }
0x9b: {  	v8 =	vld [tilespmem:s21+$0x0];
	_ =	sdelay $0x3  }
0x9c: {  	v7 =	vshll.u32 v7, $0xB  }
0x9d: {  	v8 =	vadd.s32 v0, v8  }
0x9e: {  	v7 =	vadd.s32 v7, v8  }
0x9f: {  	vm0 =	vlt.u32 v7, $0x80000  }
0xa0: {  	v7 =	vsel vm0, v7, v6  }
0xa1: {  	[tilespmem:s24+$0x0] =	vst v7  }
0xa2: {  	v7 =	vld [tilespmem:s20+$0x10]  }
0xa3: {  	v8 =	vld [tilespmem:s21+$0x10];
	_ =	sdelay $0x3  }
0xa4: {  	v7 =	vshll.u32 v7, $0xB  }
0xa5: {  	v8 =	vadd.s32 v0, v8  }
0xa6: {  	v7 =	vadd.s32 v7, v8  }
0xa7: {  	vm0 =	vlt.u32 v7, $0x80000  }
0xa8: {  	v7 =	vsel vm0, v7, v6  }
0xa9: {  	[tilespmem:s24+$0x10] =	vst v7  }
0xaa: {  	v7 =	vld [tilespmem:s20+$0x20]  }
0xab: {  	v8 =	vld [tilespmem:s21+$0x20];
	_ =	sdelay $0x3  }
0xac: {  	v7 =	vshll.u32 v7, $0xB  }
0xad: {  	v8 =	vadd.s32 v0, v8  }
0xae: {  	v7 =	vadd.s32 v7, v8  }
0xaf: {  	vm0 =	vlt.u32 v7, $0x80000  }
.Ltmp2:
0xb0: {  	v7 =	vsel vm0, v7, v6;
	(pc) =	sbr.rel @p0 .LBB2_6-.Ltmp2, $4  }
0xb1: {  	[tilespmem:s24+$0x20] =	vst v7  }
0xb2: {  	v7 =	vld [tilespmem:s20+$0x30]  }
0xb3: {  	v8 =	vld [tilespmem:s21+$0x30]  }
0xb4: {  	s24 =	sadd.s32 $0x80, s24  }
0xb5: {  	_ =	sdelay $0x2  }
0xb6: {  	v7 =	vshll.u32 v7, $0xB;
	v8 =	vadd.s32 v0, v8  }
0xb7: {  	v7 =	vadd.s32 v7, v8  }
0xb8: {  	vm0 =	vlt.u32 v7, $0x80000  }
0xb9: {  	v7 =	vsel vm0, v7, v6  }
0xba: {  	[tilespmem:s22+$0x30] =	vst v7  }
0xbb: {  	[spmem:s2] =	stream.indirect.scatter [tilespmem:s17], [sflag:$0x1], $0x1, s16, s15, $0xb8;
	[tilespmem:$0x14008] =	vst v63  }
0xbc: {  	_ =	swait.ge [sflag:s18], $0x1000  }
0xbd: {  	[sflag:s18] =	ssyncset.done $0x0  }
0xbe: {  	s20 =	sshll.u32 s1, $0x6;
	[sflag:s18] =	ssyncadd.s32 $0xFFFFF000  }
0xbf: {  	s21 =	sshrl.u32 s6, $0x3;
	s20 =	sor.u32 $0x1C02, s20;
	[bflag:$0x0] =	sbarrier.arrive $0xFFFF  }
0xc0: {  	[hbm:s7], [sflag:s20] =	dma.local [spmem:s21], $0x1000  }
0xc1: {  	_ =	swait.ge [sflag:s13], $0x1000  }
0xc2: {  	[sflag:s13] =	ssyncset.done $0x0  }
0xc3: {  	[sflag:s13] =	ssyncadd.s32 $0xFFFFF000  }
0xc4: {  	[spmem:s6] =	stream.linear.scatter [tilespmem:s3], [sflag:$0x2], $0x8000, $0x38;
	[tilespmem:$0x14008] =	vst v63  }
0xc5: {  	_ =	swait.ge [sflag:s13], $0x8000  }
0xc6: {  	[sflag:s13] =	ssyncset.done $0x0  }
0xc7: {  	[sflag:s13] =	ssyncadd.s32 $0xFFFF8000  }
0xc8: {  	s22 =	simm.s32 $0x8040;
	[bflag:$0x0] =	sbarrier.arrive $0xFFFF  }
0xc9: {  	s23 =	simm.s32 $0x9040;
	v7 =	vld [tilespmem:s22+$0xFFFFFFC0]  }
0xca: {  	v8 =	vld [tilespmem:s23+$0xFFFFFFC0];
	_ =	sdelay $0x4  }
0xcb: {  	v7 =	vshll.u32 v7, $0xB;
	v8 =	vadd.s32 v1, v8  }
0xcc: {  	v7 =	vadd.s32 v7, v8  }
0xcd: {  	vm9 =	vlt.u32 v7, $0x80000  }
0xce: {  	s24 =	simm.s32 $0xA040;
	v7 =	vsel vm9, v7, v6  }
0xcf: {  	[tilespmem:s24+$0xFFFFFFC0] =	vst v7  }
0xd0: {  	v7 =	vld [tilespmem:s22+$0xFFFFFFD0]  }
0xd1: {  	v8 =	vld [tilespmem:s23+$0xFFFFFFD0];
	_ =	sdelay $0x4  }
0xd2: {  	v7 =	vshll.u32 v7, $0xB;
	v8 =	vadd.s32 v1, v8  }
0xd3: {  	v7 =	vadd.s32 v7, v8  }
0xd4: {  	vm10 =	vlt.u32 v7, $0x80000  }
0xd5: {  	v7 =	vsel vm10, v7, v6  }
0xd6: {  	[tilespmem:s24+$0xFFFFFFD0] =	vst v7  }
0xd7: {  	v7 =	vld [tilespmem:s22+$0xFFFFFFE0]  }
0xd8: {  	v8 =	vld [tilespmem:s23+$0xFFFFFFE0];
	_ =	sdelay $0x4  }
0xd9: {  	v7 =	vshll.u32 v7, $0xB;
	v8 =	vadd.s32 v1, v8  }
0xda: {  	v7 =	vadd.s32 v7, v8  }
0xdb: {  	vm11 =	vlt.u32 v7, $0x80000  }
0xdc: {  	v7 =	vsel vm11, v7, v6  }
0xdd: {  	[tilespmem:s24+$0xFFFFFFE0] =	vst v7  }
0xde: {  	v7 =	vld [tilespmem:s22+$0xFFFFFFF0]  }
0xdf: {  	v8 =	vld [tilespmem:s23+$0xFFFFFFF0];
	_ =	sdelay $0x4  }
0xe0: {  	v7 =	vshll.u32 v7, $0xB;
	v8 =	vadd.s32 v1, v8  }
0xe1: {  	v7 =	vadd.s32 v7, v8  }
0xe2: {  	vm12 =	vlt.u32 v7, $0x80000  }
0xe3: {  	v7 =	vsel vm12, v7, v6  }
0xe4: {  	[tilespmem:s24+$0xFFFFFFF0] =	vst v7  }
0xe5: {  	v7 =	vld [tilespmem:s22+$0x0]  }
0xe6: {  	v8 =	vld [tilespmem:s23+$0x0];
	_ =	sdelay $0x4  }
0xe7: {  	v7 =	vshll.u32 v7, $0xB;
	v8 =	vadd.s32 v1, v8  }
0xe8: {  	v7 =	vadd.s32 v7, v8  }
0xe9: {  	vm13 =	vlt.u32 v7, $0x80000  }
0xea: {  	v7 =	vsel vm13, v7, v6  }
0xeb: {  	[tilespmem:s24+$0x0] =	vst v7  }
0xec: {  	v7 =	vld [tilespmem:s22+$0x10]  }
0xed: {  	v8 =	vld [tilespmem:s23+$0x10];
	_ =	sdelay $0x4  }
0xee: {  	v7 =	vshll.u32 v7, $0xB;
	v8 =	vadd.s32 v1, v8  }
0xef: {  	v7 =	vadd.s32 v7, v8  }
0xf0: {  	vm14 =	vlt.u32 v7, $0x80000  }
0xf1: {  	v7 =	vsel vm14, v7, v6  }
0xf2: {  	[tilespmem:s24+$0x10] =	vst v7  }
0xf3: {  	v7 =	vld [tilespmem:s22+$0x20]  }
0xf4: {  	v8 =	vld [tilespmem:s23+$0x20];
	_ =	sdelay $0x4  }
0xf5: {  	v7 =	vshll.u32 v7, $0xB;
	v8 =	vadd.s32 v1, v8  }
0xf6: {  	v7 =	vadd.s32 v7, v8  }
0xf7: {  	vm15 =	vlt.u32 v7, $0x80000  }
0xf8: {  	v7 =	vsel vm15, v7, v6  }
0xf9: {  	[tilespmem:s24+$0x20] =	vst v7  }
0xfa: {  	v7 =	vld [tilespmem:s22+$0x30]  }
0xfb: {  	v8 =	vld [tilespmem:s23+$0x30]  }
0xfc: {  	s25 =	simm.s32 $0x0;
	s26 =	simm.s32 $0xA0C0  }
.LBB2_8:
0xfd: {  	s25 =	sadd.s32 $0x8, s25;
	s22 =	sadd.s32 $0x80, s22;
	s23 =	sadd.s32 $0x80, s23  }
0xfe: {  	p0 =	slt.u32 s25, $0xF8  }
0xff: {  	v7 =	vshll.u32 v7, $0xB  }
0x100: {  	v8 =	vadd.s32 v1, v8  }
0x101: {  	v7 =	vadd.s32 v7, v8  }
0x102: {  	vm0 =	vlt.u32 v7, $0x80000  }
0x103: {  	v7 =	vsel vm0, v7, v6  }
0x104: {  	[tilespmem:s24+$0x30] =	vst v7;
	s24 =	smov.u32 s26  }
0x105: {  	v7 =	vld [tilespmem:s22+$0xFFFFFFC0]  }
0x106: {  	v8 =	vld [tilespmem:s23+$0xFFFFFFC0];
	_ =	sdelay $0x4  }
0x107: {  	v7 =	vshll.u32 v7, $0xB;
	v8 =	vadd.s32 v1, v8  }
0x108: {  	v7 =	vadd.s32 v7, v8  }
0x109: {  	vm0 =	vlt.u32 v7, $0x80000  }
0x10a: {  	v7 =	vsel vm0, v7, v6  }
0x10b: {  	[tilespmem:s26+$0xFFFFFFC0] =	vst v7  }
0x10c: {  	v7 =	vld [tilespmem:s22+$0xFFFFFFD0]  }
0x10d: {  	v8 =	vld [tilespmem:s23+$0xFFFFFFD0];
	_ =	sdelay $0x3  }
0x10e: {  	v7 =	vshll.u32 v7, $0xB  }
0x10f: {  	v8 =	vadd.s32 v1, v8  }
0x110: {  	v7 =	vadd.s32 v7, v8  }
0x111: {  	vm0 =	vlt.u32 v7, $0x80000  }
0x112: {  	v7 =	vsel vm0, v7, v6  }
0x113: {  	[tilespmem:s26+$0xFFFFFFD0] =	vst v7  }
0x114: {  	v7 =	vld [tilespmem:s22+$0xFFFFFFE0]  }
0x115: {  	v8 =	vld [tilespmem:s23+$0xFFFFFFE0];
	_ =	sdelay $0x3  }
0x116: {  	v7 =	vshll.u32 v7, $0xB  }
0x117: {  	v8 =	vadd.s32 v1, v8  }
0x118: {  	v7 =	vadd.s32 v7, v8  }
0x119: {  	vm0 =	vlt.u32 v7, $0x80000  }
0x11a: {  	v7 =	vsel vm0, v7, v6  }
0x11b: {  	[tilespmem:s26+$0xFFFFFFE0] =	vst v7  }
0x11c: {  	v7 =	vld [tilespmem:s22+$0xFFFFFFF0]  }
0x11d: {  	v8 =	vld [tilespmem:s23+$0xFFFFFFF0];
	_ =	sdelay $0x3  }
0x11e: {  	v7 =	vshll.u32 v7, $0xB  }
0x11f: {  	v8 =	vadd.s32 v1, v8  }
0x120: {  	v7 =	vadd.s32 v7, v8  }
0x121: {  	vm0 =	vlt.u32 v7, $0x80000  }
0x122: {  	v7 =	vsel vm0, v7, v6  }
0x123: {  	[tilespmem:s26+$0xFFFFFFF0] =	vst v7  }
0x124: {  	v7 =	vld [tilespmem:s22+$0x0]  }
0x125: {  	v8 =	vld [tilespmem:s23+$0x0];
	_ =	sdelay $0x3  }
0x126: {  	v7 =	vshll.u32 v7, $0xB  }
0x127: {  	v8 =	vadd.s32 v1, v8  }
0x128: {  	v7 =	vadd.s32 v7, v8  }
0x129: {  	vm0 =	vlt.u32 v7, $0x80000  }
0x12a: {  	v7 =	vsel vm0, v7, v6  }
0x12b: {  	[tilespmem:s26+$0x0] =	vst v7  }
0x12c: {  	v7 =	vld [tilespmem:s22+$0x10]  }
0x12d: {  	v8 =	vld [tilespmem:s23+$0x10];
	_ =	sdelay $0x3  }
0x12e: {  	v7 =	vshll.u32 v7, $0xB  }
0x12f: {  	v8 =	vadd.s32 v1, v8  }
0x130: {  	v7 =	vadd.s32 v7, v8  }
0x131: {  	vm0 =	vlt.u32 v7, $0x80000  }
0x132: {  	v7 =	vsel vm0, v7, v6  }
0x133: {  	[tilespmem:s26+$0x10] =	vst v7  }
0x134: {  	v7 =	vld [tilespmem:s22+$0x20]  }
0x135: {  	v8 =	vld [tilespmem:s23+$0x20];
	_ =	sdelay $0x3  }
0x136: {  	v7 =	vshll.u32 v7, $0xB  }
0x137: {  	v8 =	vadd.s32 v1, v8  }
0x138: {  	v7 =	vadd.s32 v7, v8  }
0x139: {  	vm0 =	vlt.u32 v7, $0x80000  }
.Ltmp3:
0x13a: {  	v7 =	vsel vm0, v7, v6;
	(pc) =	sbr.rel @p0 .LBB2_8-.Ltmp3, $4  }
0x13b: {  	[tilespmem:s26+$0x20] =	vst v7  }
0x13c: {  	v7 =	vld [tilespmem:s22+$0x30]  }
0x13d: {  	v8 =	vld [tilespmem:s23+$0x30]  }
0x13e: {  	s26 =	sadd.s32 $0x80, s26  }
0x13f: {  	_ =	sdelay $0x2  }
0x140: {  	v7 =	vshll.u32 v7, $0xB;
	v8 =	vadd.s32 v1, v8  }
0x141: {  	v7 =	vadd.s32 v7, v8  }
0x142: {  	vm0 =	vlt.u32 v7, $0x80000  }
0x143: {  	v7 =	vsel vm0, v7, v6  }
0x144: {  	[tilespmem:s24+$0x30] =	vst v7  }
0x145: {  	[spmem:s2] =	stream.indirect.scatter [tilespmem:s17], [sflag:$0x1], $0x1, s16, s15, $0xb8;
	[tilespmem:$0x14008] =	vst v63  }
0x146: {  	_ =	swait.ge [sflag:s18], $0x1000  }
0x147: {  	[sflag:s18] =	ssyncset.done $0x0  }
0x148: {  	[sflag:s18] =	ssyncadd.s32 $0xFFFFF000  }
0x149: {  	[bflag:$0x0] =	sbarrier.arrive $0xFFFF  }
0x14a: {  	[hbm:s8], [sflag:s20] =	dma.local [spmem:s21], $0x1000  }
0x14b: {  	_ =	swait.ge [sflag:s13], $0x1000  }
0x14c: {  	[sflag:s13] =	ssyncset.done $0x0  }
0x14d: {  	[sflag:s13] =	ssyncadd.s32 $0xFFFFF000  }
0x14e: {  	[spmem:s6] =	stream.linear.scatter [tilespmem:s3], [sflag:$0x2], $0x8000, $0x38;
	[tilespmem:$0x14008] =	vst v63  }
0x14f: {  	_ =	swait.ge [sflag:s13], $0x8000  }
0x150: {  	[sflag:s13] =	ssyncset.done $0x0  }
0x151: {  	[sflag:s13] =	ssyncadd.s32 $0xFFFF8000  }
0x152: {  	s22 =	simm.s32 $0x8040;
	[bflag:$0x0] =	sbarrier.arrive $0xFFFF  }
0x153: {  	s23 =	simm.s32 $0x9040;
	v7 =	vld [tilespmem:s22+$0xFFFFFFC0]  }
0x154: {  	v8 =	vld [tilespmem:s23+$0xFFFFFFC0];
	_ =	sdelay $0x4  }
0x155: {  	v7 =	vshll.u32 v7, $0xB;
	v8 =	vadd.s32 v2, v8  }
0x156: {  	v7 =	vadd.s32 v7, v8  }
0x157: {  	vm9 =	vlt.u32 v7, $0x80000  }
0x158: {  	s24 =	simm.s32 $0xA040;
	v7 =	vsel vm9, v7, v6  }
0x159: {  	[tilespmem:s24+$0xFFFFFFC0] =	vst v7  }
0x15a: {  	v7 =	vld [tilespmem:s22+$0xFFFFFFD0]  }
0x15b: {  	v8 =	vld [tilespmem:s23+$0xFFFFFFD0];
	_ =	sdelay $0x4  }
0x15c: {  	v7 =	vshll.u32 v7, $0xB;
	v8 =	vadd.s32 v2, v8  }
0x15d: {  	v7 =	vadd.s32 v7, v8  }
0x15e: {  	vm10 =	vlt.u32 v7, $0x80000  }
0x15f: {  	v7 =	vsel vm10, v7, v6  }
0x160: {  	[tilespmem:s24+$0xFFFFFFD0] =	vst v7  }
0x161: {  	v7 =	vld [tilespmem:s22+$0xFFFFFFE0]  }
0x162: {  	v8 =	vld [tilespmem:s23+$0xFFFFFFE0];
	_ =	sdelay $0x4  }
0x163: {  	v7 =	vshll.u32 v7, $0xB;
	v8 =	vadd.s32 v2, v8  }
0x164: {  	v7 =	vadd.s32 v7, v8  }
0x165: {  	vm11 =	vlt.u32 v7, $0x80000  }
0x166: {  	v7 =	vsel vm11, v7, v6  }
0x167: {  	[tilespmem:s24+$0xFFFFFFE0] =	vst v7  }
0x168: {  	v7 =	vld [tilespmem:s22+$0xFFFFFFF0]  }
0x169: {  	v8 =	vld [tilespmem:s23+$0xFFFFFFF0];
	_ =	sdelay $0x4  }
0x16a: {  	v7 =	vshll.u32 v7, $0xB;
	v8 =	vadd.s32 v2, v8  }
0x16b: {  	v7 =	vadd.s32 v7, v8  }
0x16c: {  	vm12 =	vlt.u32 v7, $0x80000  }
0x16d: {  	v7 =	vsel vm12, v7, v6  }
0x16e: {  	[tilespmem:s24+$0xFFFFFFF0] =	vst v7  }
0x16f: {  	v7 =	vld [tilespmem:s22+$0x0]  }
0x170: {  	v8 =	vld [tilespmem:s23+$0x0];
	_ =	sdelay $0x4  }
0x171: {  	v7 =	vshll.u32 v7, $0xB;
	v8 =	vadd.s32 v2, v8  }
0x172: {  	v7 =	vadd.s32 v7, v8  }
0x173: {  	vm13 =	vlt.u32 v7, $0x80000  }
0x174: {  	v7 =	vsel vm13, v7, v6  }
0x175: {  	[tilespmem:s24+$0x0] =	vst v7  }
0x176: {  	v7 =	vld [tilespmem:s22+$0x10]  }
0x177: {  	v8 =	vld [tilespmem:s23+$0x10];
	_ =	sdelay $0x4  }
0x178: {  	v7 =	vshll.u32 v7, $0xB;
	v8 =	vadd.s32 v2, v8  }
0x179: {  	v7 =	vadd.s32 v7, v8  }
0x17a: {  	vm14 =	vlt.u32 v7, $0x80000  }
0x17b: {  	v7 =	vsel vm14, v7, v6  }
0x17c: {  	[tilespmem:s24+$0x10] =	vst v7  }
0x17d: {  	v7 =	vld [tilespmem:s22+$0x20]  }
0x17e: {  	v8 =	vld [tilespmem:s23+$0x20];
	_ =	sdelay $0x4  }
0x17f: {  	v7 =	vshll.u32 v7, $0xB;
	v8 =	vadd.s32 v2, v8  }
0x180: {  	v7 =	vadd.s32 v7, v8  }
0x181: {  	vm15 =	vlt.u32 v7, $0x80000  }
0x182: {  	v7 =	vsel vm15, v7, v6  }
0x183: {  	[tilespmem:s24+$0x20] =	vst v7  }
0x184: {  	v7 =	vld [tilespmem:s22+$0x30]  }
0x185: {  	v8 =	vld [tilespmem:s23+$0x30]  }
0x186: {  	s25 =	simm.s32 $0x0;
	s26 =	simm.s32 $0xA0C0  }
.LBB2_10:
0x187: {  	s25 =	sadd.s32 $0x8, s25;
	s22 =	sadd.s32 $0x80, s22;
	s23 =	sadd.s32 $0x80, s23  }
0x188: {  	p0 =	slt.u32 s25, $0xF8  }
0x189: {  	v7 =	vshll.u32 v7, $0xB  }
0x18a: {  	v8 =	vadd.s32 v2, v8  }
0x18b: {  	v7 =	vadd.s32 v7, v8  }
0x18c: {  	vm0 =	vlt.u32 v7, $0x80000  }
0x18d: {  	v7 =	vsel vm0, v7, v6  }
0x18e: {  	[tilespmem:s24+$0x30] =	vst v7;
	s24 =	smov.u32 s26  }
0x18f: {  	v7 =	vld [tilespmem:s22+$0xFFFFFFC0]  }
0x190: {  	v8 =	vld [tilespmem:s23+$0xFFFFFFC0];
	_ =	sdelay $0x4  }
0x191: {  	v7 =	vshll.u32 v7, $0xB;
	v8 =	vadd.s32 v2, v8  }
0x192: {  	v7 =	vadd.s32 v7, v8  }
0x193: {  	vm0 =	vlt.u32 v7, $0x80000  }
0x194: {  	v7 =	vsel vm0, v7, v6  }
0x195: {  	[tilespmem:s26+$0xFFFFFFC0] =	vst v7  }
0x196: {  	v7 =	vld [tilespmem:s22+$0xFFFFFFD0]  }
0x197: {  	v8 =	vld [tilespmem:s23+$0xFFFFFFD0];
	_ =	sdelay $0x3  }
0x198: {  	v7 =	vshll.u32 v7, $0xB  }
0x199: {  	v8 =	vadd.s32 v2, v8  }
0x19a: {  	v7 =	vadd.s32 v7, v8  }
0x19b: {  	vm0 =	vlt.u32 v7, $0x80000  }
0x19c: {  	v7 =	vsel vm0, v7, v6  }
0x19d: {  	[tilespmem:s26+$0xFFFFFFD0] =	vst v7  }
0x19e: {  	v7 =	vld [tilespmem:s22+$0xFFFFFFE0]  }
0x19f: {  	v8 =	vld [tilespmem:s23+$0xFFFFFFE0];
	_ =	sdelay $0x3  }
0x1a0: {  	v7 =	vshll.u32 v7, $0xB  }
0x1a1: {  	v8 =	vadd.s32 v2, v8  }
0x1a2: {  	v7 =	vadd.s32 v7, v8  }
0x1a3: {  	vm0 =	vlt.u32 v7, $0x80000  }
0x1a4: {  	v7 =	vsel vm0, v7, v6  }
0x1a5: {  	[tilespmem:s26+$0xFFFFFFE0] =	vst v7  }
0x1a6: {  	v7 =	vld [tilespmem:s22+$0xFFFFFFF0]  }
0x1a7: {  	v8 =	vld [tilespmem:s23+$0xFFFFFFF0];
	_ =	sdelay $0x3  }
0x1a8: {  	v7 =	vshll.u32 v7, $0xB  }
0x1a9: {  	v8 =	vadd.s32 v2, v8  }
0x1aa: {  	v7 =	vadd.s32 v7, v8  }
0x1ab: {  	vm0 =	vlt.u32 v7, $0x80000  }
0x1ac: {  	v7 =	vsel vm0, v7, v6  }
0x1ad: {  	[tilespmem:s26+$0xFFFFFFF0] =	vst v7  }
0x1ae: {  	v7 =	vld [tilespmem:s22+$0x0]  }
0x1af: {  	v8 =	vld [tilespmem:s23+$0x0];
	_ =	sdelay $0x3  }
0x1b0: {  	v7 =	vshll.u32 v7, $0xB  }
0x1b1: {  	v8 =	vadd.s32 v2, v8  }
0x1b2: {  	v7 =	vadd.s32 v7, v8  }
0x1b3: {  	vm0 =	vlt.u32 v7, $0x80000  }
0x1b4: {  	v7 =	vsel vm0, v7, v6  }
0x1b5: {  	[tilespmem:s26+$0x0] =	vst v7  }
0x1b6: {  	v7 =	vld [tilespmem:s22+$0x10]  }
0x1b7: {  	v8 =	vld [tilespmem:s23+$0x10];
	_ =	sdelay $0x3  }
0x1b8: {  	v7 =	vshll.u32 v7, $0xB  }
0x1b9: {  	v8 =	vadd.s32 v2, v8  }
0x1ba: {  	v7 =	vadd.s32 v7, v8  }
0x1bb: {  	vm0 =	vlt.u32 v7, $0x80000  }
0x1bc: {  	v7 =	vsel vm0, v7, v6  }
0x1bd: {  	[tilespmem:s26+$0x10] =	vst v7  }
0x1be: {  	v7 =	vld [tilespmem:s22+$0x20]  }
0x1bf: {  	v8 =	vld [tilespmem:s23+$0x20];
	_ =	sdelay $0x3  }
0x1c0: {  	v7 =	vshll.u32 v7, $0xB  }
0x1c1: {  	v8 =	vadd.s32 v2, v8  }
0x1c2: {  	v7 =	vadd.s32 v7, v8  }
0x1c3: {  	vm0 =	vlt.u32 v7, $0x80000  }
.Ltmp4:
0x1c4: {  	v7 =	vsel vm0, v7, v6;
	(pc) =	sbr.rel @p0 .LBB2_10-.Ltmp4, $4  }
0x1c5: {  	[tilespmem:s26+$0x20] =	vst v7  }
0x1c6: {  	v7 =	vld [tilespmem:s22+$0x30]  }
0x1c7: {  	v8 =	vld [tilespmem:s23+$0x30]  }
0x1c8: {  	s26 =	sadd.s32 $0x80, s26  }
0x1c9: {  	_ =	sdelay $0x2  }
0x1ca: {  	v7 =	vshll.u32 v7, $0xB;
	v8 =	vadd.s32 v2, v8  }
0x1cb: {  	v7 =	vadd.s32 v7, v8  }
0x1cc: {  	vm0 =	vlt.u32 v7, $0x80000  }
0x1cd: {  	v7 =	vsel vm0, v7, v6  }
0x1ce: {  	[tilespmem:s24+$0x30] =	vst v7  }
0x1cf: {  	[spmem:s2] =	stream.indirect.scatter [tilespmem:s17], [sflag:$0x1], $0x1, s16, s15, $0xb8;
	[tilespmem:$0x14008] =	vst v63  }
0x1d0: {  	_ =	swait.ge [sflag:s18], $0x1000  }
0x1d1: {  	[sflag:s18] =	ssyncset.done $0x0  }
0x1d2: {  	[sflag:s18] =	ssyncadd.s32 $0xFFFFF000  }
0x1d3: {  	[bflag:$0x0] =	sbarrier.arrive $0xFFFF  }
0x1d4: {  	[hbm:s9], [sflag:s20] =	dma.local [spmem:s21], $0x1000  }
0x1d5: {  	_ =	swait.ge [sflag:s13], $0x1000  }
0x1d6: {  	[sflag:s13] =	ssyncset.done $0x0  }
0x1d7: {  	[sflag:s13] =	ssyncadd.s32 $0xFFFFF000  }
0x1d8: {  	[spmem:s6] =	stream.linear.scatter [tilespmem:s3], [sflag:$0x2], $0x8000, $0x38;
	[tilespmem:$0x14008] =	vst v63  }
0x1d9: {  	_ =	swait.ge [sflag:s13], $0x8000  }
0x1da: {  	[sflag:s13] =	ssyncset.done $0x0  }
0x1db: {  	[sflag:s13] =	ssyncadd.s32 $0xFFFF8000  }
0x1dc: {  	s22 =	simm.s32 $0x8040;
	[bflag:$0x0] =	sbarrier.arrive $0xFFFF  }
0x1dd: {  	s23 =	simm.s32 $0x9040;
	v7 =	vld [tilespmem:s22+$0xFFFFFFC0]  }
0x1de: {  	v8 =	vld [tilespmem:s23+$0xFFFFFFC0];
	_ =	sdelay $0x4  }
0x1df: {  	v7 =	vshll.u32 v7, $0xB;
	v8 =	vadd.s32 v3, v8  }
0x1e0: {  	v7 =	vadd.s32 v7, v8  }
0x1e1: {  	vm9 =	vlt.u32 v7, $0x80000  }
0x1e2: {  	s24 =	simm.s32 $0xA040;
	v7 =	vsel vm9, v7, v6  }
0x1e3: {  	[tilespmem:s24+$0xFFFFFFC0] =	vst v7  }
0x1e4: {  	v7 =	vld [tilespmem:s22+$0xFFFFFFD0]  }
0x1e5: {  	v8 =	vld [tilespmem:s23+$0xFFFFFFD0];
	_ =	sdelay $0x4  }
0x1e6: {  	v7 =	vshll.u32 v7, $0xB;
	v8 =	vadd.s32 v3, v8  }
0x1e7: {  	v7 =	vadd.s32 v7, v8  }
0x1e8: {  	vm10 =	vlt.u32 v7, $0x80000  }
0x1e9: {  	v7 =	vsel vm10, v7, v6  }
0x1ea: {  	[tilespmem:s24+$0xFFFFFFD0] =	vst v7  }
0x1eb: {  	v7 =	vld [tilespmem:s22+$0xFFFFFFE0]  }
0x1ec: {  	v8 =	vld [tilespmem:s23+$0xFFFFFFE0];
	_ =	sdelay $0x4  }
0x1ed: {  	v7 =	vshll.u32 v7, $0xB;
	v8 =	vadd.s32 v3, v8  }
0x1ee: {  	v7 =	vadd.s32 v7, v8  }
0x1ef: {  	vm11 =	vlt.u32 v7, $0x80000  }
0x1f0: {  	v7 =	vsel vm11, v7, v6  }
0x1f1: {  	[tilespmem:s24+$0xFFFFFFE0] =	vst v7  }
0x1f2: {  	v7 =	vld [tilespmem:s22+$0xFFFFFFF0]  }
0x1f3: {  	v8 =	vld [tilespmem:s23+$0xFFFFFFF0];
	_ =	sdelay $0x4  }
0x1f4: {  	v7 =	vshll.u32 v7, $0xB;
	v8 =	vadd.s32 v3, v8  }
0x1f5: {  	v7 =	vadd.s32 v7, v8  }
0x1f6: {  	vm12 =	vlt.u32 v7, $0x80000  }
0x1f7: {  	v7 =	vsel vm12, v7, v6  }
0x1f8: {  	[tilespmem:s24+$0xFFFFFFF0] =	vst v7  }
0x1f9: {  	v7 =	vld [tilespmem:s22+$0x0]  }
0x1fa: {  	v8 =	vld [tilespmem:s23+$0x0];
	_ =	sdelay $0x4  }
0x1fb: {  	v7 =	vshll.u32 v7, $0xB;
	v8 =	vadd.s32 v3, v8  }
0x1fc: {  	v7 =	vadd.s32 v7, v8  }
0x1fd: {  	vm13 =	vlt.u32 v7, $0x80000  }
0x1fe: {  	v7 =	vsel vm13, v7, v6  }
0x1ff: {  	[tilespmem:s24+$0x0] =	vst v7  }
0x200: {  	v7 =	vld [tilespmem:s22+$0x10]  }
0x201: {  	v8 =	vld [tilespmem:s23+$0x10];
	_ =	sdelay $0x4  }
0x202: {  	v7 =	vshll.u32 v7, $0xB;
	v8 =	vadd.s32 v3, v8  }
0x203: {  	v7 =	vadd.s32 v7, v8  }
0x204: {  	vm14 =	vlt.u32 v7, $0x80000  }
0x205: {  	v7 =	vsel vm14, v7, v6  }
0x206: {  	[tilespmem:s24+$0x10] =	vst v7  }
0x207: {  	v7 =	vld [tilespmem:s22+$0x20]  }
0x208: {  	v8 =	vld [tilespmem:s23+$0x20];
	_ =	sdelay $0x4  }
0x209: {  	v7 =	vshll.u32 v7, $0xB;
	v8 =	vadd.s32 v3, v8  }
0x20a: {  	v7 =	vadd.s32 v7, v8  }
0x20b: {  	vm15 =	vlt.u32 v7, $0x80000  }
0x20c: {  	v7 =	vsel vm15, v7, v6  }
0x20d: {  	[tilespmem:s24+$0x20] =	vst v7  }
0x20e: {  	v7 =	vld [tilespmem:s22+$0x30]  }
0x20f: {  	v8 =	vld [tilespmem:s23+$0x30]  }
0x210: {  	s25 =	simm.s32 $0x0;
	s26 =	simm.s32 $0xA0C0  }
.LBB2_12:
0x211: {  	s25 =	sadd.s32 $0x8, s25;
	s22 =	sadd.s32 $0x80, s22;
	s23 =	sadd.s32 $0x80, s23  }
0x212: {  	p0 =	slt.u32 s25, $0xF8  }
0x213: {  	v7 =	vshll.u32 v7, $0xB  }
0x214: {  	v8 =	vadd.s32 v3, v8  }
0x215: {  	v7 =	vadd.s32 v7, v8  }
0x216: {  	vm0 =	vlt.u32 v7, $0x80000  }
0x217: {  	v7 =	vsel vm0, v7, v6  }
0x218: {  	[tilespmem:s24+$0x30] =	vst v7;
	s24 =	smov.u32 s26  }
0x219: {  	v7 =	vld [tilespmem:s22+$0xFFFFFFC0]  }
0x21a: {  	v8 =	vld [tilespmem:s23+$0xFFFFFFC0];
	_ =	sdelay $0x4  }
0x21b: {  	v7 =	vshll.u32 v7, $0xB;
	v8 =	vadd.s32 v3, v8  }
0x21c: {  	v7 =	vadd.s32 v7, v8  }
0x21d: {  	vm0 =	vlt.u32 v7, $0x80000  }
0x21e: {  	v7 =	vsel vm0, v7, v6  }
0x21f: {  	[tilespmem:s26+$0xFFFFFFC0] =	vst v7  }
0x220: {  	v7 =	vld [tilespmem:s22+$0xFFFFFFD0]  }
0x221: {  	v8 =	vld [tilespmem:s23+$0xFFFFFFD0];
	_ =	sdelay $0x3  }
0x222: {  	v7 =	vshll.u32 v7, $0xB  }
0x223: {  	v8 =	vadd.s32 v3, v8  }
0x224: {  	v7 =	vadd.s32 v7, v8  }
0x225: {  	vm0 =	vlt.u32 v7, $0x80000  }
0x226: {  	v7 =	vsel vm0, v7, v6  }
0x227: {  	[tilespmem:s26+$0xFFFFFFD0] =	vst v7  }
0x228: {  	v7 =	vld [tilespmem:s22+$0xFFFFFFE0]  }
0x229: {  	v8 =	vld [tilespmem:s23+$0xFFFFFFE0];
	_ =	sdelay $0x3  }
0x22a: {  	v7 =	vshll.u32 v7, $0xB  }
0x22b: {  	v8 =	vadd.s32 v3, v8  }
0x22c: {  	v7 =	vadd.s32 v7, v8  }
0x22d: {  	vm0 =	vlt.u32 v7, $0x80000  }
0x22e: {  	v7 =	vsel vm0, v7, v6  }
0x22f: {  	[tilespmem:s26+$0xFFFFFFE0] =	vst v7  }
0x230: {  	v7 =	vld [tilespmem:s22+$0xFFFFFFF0]  }
0x231: {  	v8 =	vld [tilespmem:s23+$0xFFFFFFF0];
	_ =	sdelay $0x3  }
0x232: {  	v7 =	vshll.u32 v7, $0xB  }
0x233: {  	v8 =	vadd.s32 v3, v8  }
0x234: {  	v7 =	vadd.s32 v7, v8  }
0x235: {  	vm0 =	vlt.u32 v7, $0x80000  }
0x236: {  	v7 =	vsel vm0, v7, v6  }
0x237: {  	[tilespmem:s26+$0xFFFFFFF0] =	vst v7  }
0x238: {  	v7 =	vld [tilespmem:s22+$0x0]  }
0x239: {  	v8 =	vld [tilespmem:s23+$0x0];
	_ =	sdelay $0x3  }
0x23a: {  	v7 =	vshll.u32 v7, $0xB  }
0x23b: {  	v8 =	vadd.s32 v3, v8  }
0x23c: {  	v7 =	vadd.s32 v7, v8  }
0x23d: {  	vm0 =	vlt.u32 v7, $0x80000  }
0x23e: {  	v7 =	vsel vm0, v7, v6  }
0x23f: {  	[tilespmem:s26+$0x0] =	vst v7  }
0x240: {  	v7 =	vld [tilespmem:s22+$0x10]  }
0x241: {  	v8 =	vld [tilespmem:s23+$0x10];
	_ =	sdelay $0x3  }
0x242: {  	v7 =	vshll.u32 v7, $0xB  }
0x243: {  	v8 =	vadd.s32 v3, v8  }
0x244: {  	v7 =	vadd.s32 v7, v8  }
0x245: {  	vm0 =	vlt.u32 v7, $0x80000  }
0x246: {  	v7 =	vsel vm0, v7, v6  }
0x247: {  	[tilespmem:s26+$0x10] =	vst v7  }
0x248: {  	v7 =	vld [tilespmem:s22+$0x20]  }
0x249: {  	v8 =	vld [tilespmem:s23+$0x20];
	_ =	sdelay $0x3  }
0x24a: {  	v7 =	vshll.u32 v7, $0xB  }
0x24b: {  	v8 =	vadd.s32 v3, v8  }
0x24c: {  	v7 =	vadd.s32 v7, v8  }
0x24d: {  	vm0 =	vlt.u32 v7, $0x80000  }
.Ltmp5:
0x24e: {  	v7 =	vsel vm0, v7, v6;
	(pc) =	sbr.rel @p0 .LBB2_12-.Ltmp5, $4  }
0x24f: {  	[tilespmem:s26+$0x20] =	vst v7  }
0x250: {  	v7 =	vld [tilespmem:s22+$0x30]  }
0x251: {  	v8 =	vld [tilespmem:s23+$0x30]  }
0x252: {  	s26 =	sadd.s32 $0x80, s26  }
0x253: {  	_ =	sdelay $0x2  }
0x254: {  	v7 =	vshll.u32 v7, $0xB;
	v8 =	vadd.s32 v3, v8  }
0x255: {  	v7 =	vadd.s32 v7, v8  }
0x256: {  	vm0 =	vlt.u32 v7, $0x80000  }
0x257: {  	v7 =	vsel vm0, v7, v6  }
0x258: {  	[tilespmem:s24+$0x30] =	vst v7  }
0x259: {  	[spmem:s2] =	stream.indirect.scatter [tilespmem:s17], [sflag:$0x1], $0x1, s16, s15, $0xb8;
	[tilespmem:$0x14008] =	vst v63  }
0x25a: {  	_ =	swait.ge [sflag:s18], $0x1000  }
0x25b: {  	s19 =	sadd.s32 $0x1, s19;
	[sflag:s18] =	ssyncset.done $0x0  }
0x25c: {  	p0 =	sne.s32 s19, s11;
	[sflag:s18] =	ssyncadd.s32 $0xFFFFF000  }
.Ltmp6:
0x25d: {  	[bflag:$0x0] =	sbarrier.arrive $0xFFFF;
	(pc) =	sbr.rel @p0 .LBB2_1-.Ltmp6, $4  }
0x25e: {  	[hbm:s10], [sflag:s20] =	dma.local [spmem:s21], $0x1000  }
0x25f: {  	_ =	swait.ge [sflag:s13], $0x1000  }
0x260: {  	[sflag:s13] =	ssyncset.done $0x0  }
0x261: {  	[sflag:s13] =	ssyncadd.s32 $0xFFFFF000  }
0x262: {  	_ =	sfence.sel $0x180000  }
0x263: {  	[bflag:$0x0] =	sbarrier.arrive $0xFFFF  }
0x264: {  	p0 =	sne.s32 s1, $0x0;
	_ =	strace $0x90000047  }
0x265: {  	s0 =	sadd.s32 @!p0 $0x100000, s0;
	[bflag:$0x2] =	sbarrier.arrive $0xFFFF  }
0x266: {  	[sflag:s0] =	ssyncadd.tile.s32 @!p0 $0x1;
	_ =	shalt  }
.Lfunc_end2:
_tile_overlayer_lowered:
.L_overlay_start_2:
0x267: {  	(tag) =	ssettag $0x2  }
0x268: {  	s0 =	rddreg [dreg:$0x0];
	s2 =	stileid.u32  }
0x269: {  	s1 =	rddreg [dreg:$0x1];
	p0 =	sne.s32 s2, $0x0  }
0x26a: {  	s3 =	rddreg [dreg:$0x2];
	[bflag:$0x3] =	sbarrier.arrive $0xFFFF;
	s2 =	simm.s32 @!p0 $0x1C02  }
0x26b: {  	[timem:s3], [sflag:s2] =	dma.local @!p0 [hbm:s0], s1  }
0x26c: {  	s0 =	simm.s32 @!p0 $0x2  }
0x26d: {  	_ =	swait.ge @!p0 [sflag:s0], s1  }
0x26e: {  	s1 =	ssub.s32 @!p0 $0x0, s1;
	[sflag:s0] =	ssyncset.done @!p0 $0x0  }
0x26f: {  	[sflag:s0] =	ssyncadd.s32 @!p0 s1  }
0x270: {  	[bflag:$0x3] =	sbarrier.arrive $0xFFFF  }
0x271: {  	_ =	shalt  }

</sc_bundles>
